<compile_context>
chip_gen: v7x
topology: tpu7x:2x2x1
jax: 0.10.2.dev20260603
libtpu: 0.0.44.dev20260713+nightly
codegen_flags: <defaults>
</compile_context>

<pallas_src>
import functools

import jax
import jax.numpy as jnp
from jax import lax
from jax.experimental import pallas as pl
from jax.experimental.pallas import tpu as pltpu
from jax.experimental.pallas import tpu_sc as plsc

NUM_CLASS = 100000
BATCH = 4096
CTX_DIM = 512
N_CLS_CTX = 4
SEQ_LEN = 77
PRE = 5
SUF = SEQ_LEN - PRE - N_CLS_CTX
ROW = N_CLS_CTX * CTX_DIM
OUT_W = SEQ_LEN * CTX_DIM
MID_OFF = PRE * CTX_DIM

_INFO = plsc.get_sparse_core_info()
_NC, _NS = _INFO.num_cores, _INFO.num_subcores
_NW = _NC * _NS
B_PER_W = BATCH // _NW
CHUNK = 32
N_CHUNKS = B_PER_W // CHUNK


def _sc_gather_into(label, cls2d):
    mesh = plsc.VectorSubcoreMesh(core_axis_name="c", subcore_axis_name="s")

    @functools.partial(
        pl.kernel,
        mesh=mesh,
        out_type=jax.ShapeDtypeStruct((BATCH, OUT_W), jnp.float32),
        scratch_types=[
            pltpu.VMEM((CHUNK,), jnp.int32),
            pltpu.VMEM((CHUNK, ROW), jnp.float32),
            pltpu.SemaphoreType.DMA,
        ],
    )
    def k(cls_hbm, label_hbm, out_hbm, idx_v, rows_v, sem):
        wid = lax.axis_index("s") * _NC + lax.axis_index("c")
        base = wid * B_PER_W
        for c in range(N_CHUNKS):
            off = base + c * CHUNK
            pltpu.sync_copy(label_hbm.at[pl.ds(off, CHUNK)], idx_v)
            pltpu.async_copy(cls_hbm.at[idx_v], rows_v, sem).wait()
            pltpu.sync_copy(
                rows_v, out_hbm.at[pl.ds(off, CHUNK), pl.ds(MID_OFF, ROW)])

    return k(cls2d, label)


BBLK = 64


def _tc_broadcast(combo, out1):

    def body(combo_ref, alias_ref, out_ref):
        del alias_ref
        out_ref[...] = jnp.broadcast_to(combo_ref[0], (BBLK, CTX_DIM))

    return pl.pallas_call(
        body,
        grid=(BATCH // BBLK, PRE + SUF),
        in_specs=[
            pl.BlockSpec((1, 1, CTX_DIM), lambda i, j: (j, 0, 0)),
            pl.BlockSpec(memory_space=pl.ANY),
        ],
        out_specs=pl.BlockSpec(
            (BBLK, CTX_DIM),
            lambda i, j: (i, jnp.where(j < PRE, j, j + N_CLS_CTX))),
        out_shape=jax.ShapeDtypeStruct((BATCH, OUT_W), jnp.float32),
        input_output_aliases={1: 0},
    )(combo, out1)


def kernel(label, cls_ctx, token_prefix, token_suffix):
    cls2d = cls_ctx.reshape(NUM_CLASS, ROW)
    out1 = _sc_gather_into(label.astype(jnp.int32), cls2d)
    combo = jnp.concatenate([token_prefix[0], token_suffix[0]], axis=0)
    out2d = _tc_broadcast(combo.reshape(PRE + SUF, 1, CTX_DIM), out1)
    return out2d.reshape(BATCH, SEQ_LEN, CTX_DIM)

# --- scband reference (transcript-rebuilt; emitter-appended) ---
"""Pipeline reference for scband-prompt-learner-3822520893963 (READ-ONLY COPY).

The authoritative reference and input builder live on the scoring server;
editing this copy changes nothing except your own understanding.
"""

import jax, jax.numpy as jnp
import numpy as np

NUM_CLASS = 100000
BATCH = 4096
CTX_DIM = 512
N_CTX = 4
N_CLS_CTX = 4
SEQ_LEN = 77

def setup_inputs(seed: int = 0) -> dict:
    key = jax.random.key(seed)
    k1, k2, k3, k4 = jax.random.split(key, 4)
    label = jax.random.randint(k1, (BATCH,), 0, NUM_CLASS)
    # learned per-class context vectors, init std=0.02 as in the module
    cls_ctx = jax.random.normal(k2, (NUM_CLASS, N_CLS_CTX, CTX_DIM), dtype=jnp.float32) * 0.02
    # frozen buffers derived from token_embedding(tokenized prompt)
    # prefix covers tokens [0 : n_ctx+1] = 5 positions; suffix covers [n_ctx+1+n_cls_ctx : 77] = 68 positions
    token_prefix = jax.random.normal(k3, (1, N_CTX + 1, CTX_DIM), dtype=jnp.float32)
    token_suffix = jax.random.normal(k4, (1, SEQ_LEN - (N_CTX + 1) - N_CLS_CTX, CTX_DIM), dtype=jnp.float32)
    return {"label": label, "cls_ctx": cls_ctx, "token_prefix": token_prefix, "token_suffix": token_suffix}

def reference(label, cls_ctx, token_prefix, token_suffix):
    # gather per-class context vectors (embedding lookup)
    cls = jnp.take(cls_ctx, label, axis=0)            # [B, 4, 512]
    b = label.shape[0]
    prefix = jnp.broadcast_to(token_prefix, (b, token_prefix.shape[1], token_prefix.shape[2]))
    suffix = jnp.broadcast_to(token_suffix, (b, token_suffix.shape[1], token_suffix.shape[2]))
    prompts = jnp.concatenate([prefix, cls, suffix], axis=1)  # [B, 77, 512]
    return prompts

if __name__ == "__main__":
    import jax
    _d = setup_inputs()
    print(jax.jit(kernel)(*tuple(_d.values())))

</pallas_src>

<mosaic_0001>
#map = affine_map<(d0, d1) -> (0, 0)>
#map1 = affine_map<(d0, d1) -> (0)>
module attributes {stable_mosaic.version = 14 : i64} {
  func.func @k(%arg0: i32, %arg1: i32, %arg2: memref<100000x2048xf32, #tpu.memory_space<hbm>>, %arg3: memref<4096xi32, #tpu.memory_space<hbm>>, %arg4: memref<4096x39424xf32, #tpu.memory_space<hbm>>, %arg5: memref<32xi32, #tpu.memory_space<vmem>>, %arg6: memref<32x2048xf32, #tpu.memory_space<vmem>>, %arg7: memref<!tpu.dma_semaphore, #tpu.memory_space<semaphore_mem>>) attributes {dimension_semantics = [#tpu.dimension_semantics<core_parallel>, #tpu.dimension_semantics<subcore_parallel>], iteration_bounds = array<i64: 2, 16>, scalar_prefetch = 0 : i64, scratch_operands = 3 : i64, tpu.core_type = #tpu.core_type<sc_vector_subcore>, window_params = [{transform_indices = #map}, {transform_indices = #map1}, {transform_indices = #map}]} {
    %mul3A = arith.constant 2 : i32
    %mul3A_0 = arith.muli %arg1, %mul3A : i32
    %add3A = arith.addi %mul3A_0, %arg0 : i32
    %mul3A_1 = arith.constant 128 : i32
    %mul3A_2 = arith.muli %add3A, %mul3A_1 : i32
    %add3A_3 = arith.constant 0 : i32
    %add3A_4 = arith.addi %mul3A_2, %add3A_3 : i32
    "tpu.region"() ({
      %run_scoped3A = tpu.sem_alloc : memref<!tpu.dma_semaphore, #tpu.memory_space<semaphore_mem>>
      %dma_start3A_33 = tpu.memref_slice %arg3[%add3A_4] : memref<4096xi32, #tpu.memory_space<hbm>> -> memref<32xi32, #tpu.memory_space<hbm>>
      %dma_start3A_34 = tpu.memref_slice %arg3[%add3A_4] : memref<4096xi32, #tpu.memory_space<hbm>> -> memref<32xi32, #tpu.memory_space<hbm>>
      tpu.enqueue_dma source(%dma_start3A_34 : memref<32xi32, #tpu.memory_space<hbm>>) target(%arg5 : memref<32xi32, #tpu.memory_space<vmem>>) target_semaphore(%run_scoped3A : memref<!tpu.dma_semaphore, #tpu.memory_space<semaphore_mem>>)
      %dma_wait3A_35 = tpu.memref_slice %arg3[%add3A_4] : memref<4096xi32, #tpu.memory_space<hbm>> -> memref<32xi32, #tpu.memory_space<hbm>>
      %dma_wait3A_36 = tpu.memref_slice %arg3[%add3A_4] : memref<4096xi32, #tpu.memory_space<hbm>> -> memref<32xi32, #tpu.memory_space<hbm>>
      tpu.wait_dma2 semaphore(%run_scoped3A : memref<!tpu.dma_semaphore, #tpu.memory_space<semaphore_mem>>) src(%dma_wait3A_36 : memref<32xi32, #tpu.memory_space<hbm>>) dst(%arg5 : memref<32xi32, #tpu.memory_space<vmem>>)
      tpu.yield
    }) : () -> ()
    %dma_start3A = arith.constant 0 : i32
    %dma_start3A_5 = arith.constant 0 : i32
    %dma_start3A_6 = tpu.memref_slice %arg2[%dma_start3A, %dma_start3A_5] : memref<100000x2048xf32, #tpu.memory_space<hbm>> -> memref<100000x2048xf32, #tpu.memory_space<hbm>>
    tpu.enqueue_indirect_dma source(%dma_start3A_6 : memref<100000x2048xf32, #tpu.memory_space<hbm>>) target(%arg6 : memref<32x2048xf32, #tpu.memory_space<vmem>>) offsets(%arg5 : memref<32xi32, #tpu.memory_space<vmem>>) semaphore(%arg7 : memref<!tpu.dma_semaphore, #tpu.memory_space<semaphore_mem>>)
    %dma_wait3A = arith.constant 0 : i32
    %dma_wait3A_7 = arith.constant 0 : i32
    %dma_wait3A_8 = tpu.memref_slice %arg2[%dma_wait3A, %dma_wait3A_7] : memref<100000x2048xf32, #tpu.memory_space<hbm>> -> memref<100000x2048xf32, #tpu.memory_space<hbm>>
    tpu.wait_indirect_dma semaphore(%arg7 : memref<!tpu.dma_semaphore, #tpu.memory_space<semaphore_mem>>) src(%dma_wait3A_8 : memref<100000x2048xf32, #tpu.memory_space<hbm>>) dst(%arg6 : memref<32x2048xf32, #tpu.memory_space<vmem>>)
    "tpu.region"() ({
      %run_scoped3A = tpu.sem_alloc : memref<!tpu.dma_semaphore, #tpu.memory_space<semaphore_mem>>
      %dma_start3A_33 = arith.constant 2560 : i32
      %dma_start3A_34 = tpu.memref_slice %arg4[%add3A_4, %dma_start3A_33] : memref<4096x39424xf32, #tpu.memory_space<hbm>> -> memref<32x2048xf32, #tpu.memory_space<hbm>>
      %dma_start3A_35 = arith.constant 2560 : i32
      %dma_start3A_36 = tpu.memref_slice %arg4[%add3A_4, %dma_start3A_35] : memref<4096x39424xf32, #tpu.memory_space<hbm>> -> memref<32x2048xf32, #tpu.memory_space<hbm>>
      tpu.enqueue_dma source(%arg6 : memref<32x2048xf32, #tpu.memory_space<vmem>>) target(%dma_start3A_36 : memref<32x2048xf32, #tpu.memory_space<hbm>>) target_semaphore(%run_scoped3A : memref<!tpu.dma_semaphore, #tpu.memory_space<semaphore_mem>>)
      %dma_wait3A_37 = arith.constant 2560 : i32
      %dma_wait3A_38 = tpu.memref_slice %arg4[%add3A_4, %dma_wait3A_37] : memref<4096x39424xf32, #tpu.memory_space<hbm>> -> memref<32x2048xf32, #tpu.memory_space<hbm>>
      %dma_wait3A_39 = arith.constant 2560 : i32
      %dma_wait3A_40 = tpu.memref_slice %arg4[%add3A_4, %dma_wait3A_39] : memref<4096x39424xf32, #tpu.memory_space<hbm>> -> memref<32x2048xf32, #tpu.memory_space<hbm>>
      tpu.wait_dma2 semaphore(%run_scoped3A : memref<!tpu.dma_semaphore, #tpu.memory_space<semaphore_mem>>) src(%arg6 : memref<32x2048xf32, #tpu.memory_space<vmem>>) dst(%dma_wait3A_40 : memref<32x2048xf32, #tpu.memory_space<hbm>>)
      tpu.yield
    }) : () -> ()
    %add3A_9 = arith.constant 32 : i32
    %add3A_10 = arith.addi %mul3A_2, %add3A_9 : i32
    "tpu.region"() ({
      %run_scoped3A = tpu.sem_alloc : memref<!tpu.dma_semaphore, #tpu.memory_space<semaphore_mem>>
      %dma_start3A_33 = tpu.memref_slice %arg3[%add3A_10] : memref<4096xi32, #tpu.memory_space<hbm>> -> memref<32xi32, #tpu.memory_space<hbm>>
      %dma_start3A_34 = tpu.memref_slice %arg3[%add3A_10] : memref<4096xi32, #tpu.memory_space<hbm>> -> memref<32xi32, #tpu.memory_space<hbm>>
      tpu.enqueue_dma source(%dma_start3A_34 : memref<32xi32, #tpu.memory_space<hbm>>) target(%arg5 : memref<32xi32, #tpu.memory_space<vmem>>) target_semaphore(%run_scoped3A : memref<!tpu.dma_semaphore, #tpu.memory_space<semaphore_mem>>)
      %dma_wait3A_35 = tpu.memref_slice %arg3[%add3A_10] : memref<4096xi32, #tpu.memory_space<hbm>> -> memref<32xi32, #tpu.memory_space<hbm>>
      %dma_wait3A_36 = tpu.memref_slice %arg3[%add3A_10] : memref<4096xi32, #tpu.memory_space<hbm>> -> memref<32xi32, #tpu.memory_space<hbm>>
      tpu.wait_dma2 semaphore(%run_scoped3A : memref<!tpu.dma_semaphore, #tpu.memory_space<semaphore_mem>>) src(%dma_wait3A_36 : memref<32xi32, #tpu.memory_space<hbm>>) dst(%arg5 : memref<32xi32, #tpu.memory_space<vmem>>)
      tpu.yield
    }) : () -> ()
    %dma_start3A_11 = arith.constant 0 : i32
    %dma_start3A_12 = arith.constant 0 : i32
    %dma_start3A_13 = tpu.memref_slice %arg2[%dma_start3A_11, %dma_start3A_12] : memref<100000x2048xf32, #tpu.memory_space<hbm>> -> memref<100000x2048xf32, #tpu.memory_space<hbm>>
    tpu.enqueue_indirect_dma source(%dma_start3A_13 : memref<100000x2048xf32, #tpu.memory_space<hbm>>) target(%arg6 : memref<32x2048xf32, #tpu.memory_space<vmem>>) offsets(%arg5 : memref<32xi32, #tpu.memory_space<vmem>>) semaphore(%arg7 : memref<!tpu.dma_semaphore, #tpu.memory_space<semaphore_mem>>)
    %dma_wait3A_14 = arith.constant 0 : i32
    %dma_wait3A_15 = arith.constant 0 : i32
    %dma_wait3A_16 = tpu.memref_slice %arg2[%dma_wait3A_14, %dma_wait3A_15] : memref<100000x2048xf32, #tpu.memory_space<hbm>> -> memref<100000x2048xf32, #tpu.memory_space<hbm>>
    tpu.wait_indirect_dma semaphore(%arg7 : memref<!tpu.dma_semaphore, #tpu.memory_space<semaphore_mem>>) src(%dma_wait3A_16 : memref<100000x2048xf32, #tpu.memory_space<hbm>>) dst(%arg6 : memref<32x2048xf32, #tpu.memory_space<vmem>>)
    "tpu.region"() ({
      %run_scoped3A = tpu.sem_alloc : memref<!tpu.dma_semaphore, #tpu.memory_space<semaphore_mem>>
      %dma_start3A_33 = arith.constant 2560 : i32
      %dma_start3A_34 = tpu.memref_slice %arg4[%add3A_10, %dma_start3A_33] : memref<4096x39424xf32, #tpu.memory_space<hbm>> -> memref<32x2048xf32, #tpu.memory_space<hbm>>
      %dma_start3A_35 = arith.constant 2560 : i32
      %dma_start3A_36 = tpu.memref_slice %arg4[%add3A_10, %dma_start3A_35] : memref<4096x39424xf32, #tpu.memory_space<hbm>> -> memref<32x2048xf32, #tpu.memory_space<hbm>>
      tpu.enqueue_dma source(%arg6 : memref<32x2048xf32, #tpu.memory_space<vmem>>) target(%dma_start3A_36 : memref<32x2048xf32, #tpu.memory_space<hbm>>) target_semaphore(%run_scoped3A : memref<!tpu.dma_semaphore, #tpu.memory_space<semaphore_mem>>)
      %dma_wait3A_37 = arith.constant 2560 : i32
      %dma_wait3A_38 = tpu.memref_slice %arg4[%add3A_10, %dma_wait3A_37] : memref<4096x39424xf32, #tpu.memory_space<hbm>> -> memref<32x2048xf32, #tpu.memory_space<hbm>>
      %dma_wait3A_39 = arith.constant 2560 : i32
      %dma_wait3A_40 = tpu.memref_slice %arg4[%add3A_10, %dma_wait3A_39] : memref<4096x39424xf32, #tpu.memory_space<hbm>> -> memref<32x2048xf32, #tpu.memory_space<hbm>>
      tpu.wait_dma2 semaphore(%run_scoped3A : memref<!tpu.dma_semaphore, #tpu.memory_space<semaphore_mem>>) src(%arg6 : memref<32x2048xf32, #tpu.memory_space<vmem>>) dst(%dma_wait3A_40 : memref<32x2048xf32, #tpu.memory_space<hbm>>)
      tpu.yield
    }) : () -> ()
    %add3A_17 = arith.constant 64 : i32
    %add3A_18 = arith.addi %mul3A_2, %add3A_17 : i32
    "tpu.region"() ({
      %run_scoped3A = tpu.sem_alloc : memref<!tpu.dma_semaphore, #tpu.memory_space<semaphore_mem>>
      %dma_start3A_33 = tpu.memref_slice %arg3[%add3A_18] : memref<4096xi32, #tpu.memory_space<hbm>> -> memref<32xi32, #tpu.memory_space<hbm>>
      %dma_start3A_34 = tpu.memref_slice %arg3[%add3A_18] : memref<4096xi32, #tpu.memory_space<hbm>> -> memref<32xi32, #tpu.memory_space<hbm>>
      tpu.enqueue_dma source(%dma_start3A_34 : memref<32xi32, #tpu.memory_space<hbm>>) target(%arg5 : memref<32xi32, #tpu.memory_space<vmem>>) target_semaphore(%run_scoped3A : memref<!tpu.dma_semaphore, #tpu.memory_space<semaphore_mem>>)
      %dma_wait3A_35 = tpu.memref_slice %arg3[%add3A_18] : memref<4096xi32, #tpu.memory_space<hbm>> -> memref<32xi32, #tpu.memory_space<hbm>>
      %dma_wait3A_36 = tpu.memref_slice %arg3[%add3A_18] : memref<4096xi32, #tpu.memory_space<hbm>> -> memref<32xi32, #tpu.memory_space<hbm>>
      tpu.wait_dma2 semaphore(%run_scoped3A : memref<!tpu.dma_semaphore, #tpu.memory_space<semaphore_mem>>) src(%dma_wait3A_36 : memref<32xi32, #tpu.memory_space<hbm>>) dst(%arg5 : memref<32xi32, #tpu.memory_space<vmem>>)
      tpu.yield
    }) : () -> ()
    %dma_start3A_19 = arith.constant 0 : i32
    %dma_start3A_20 = arith.constant 0 : i32
    %dma_start3A_21 = tpu.memref_slice %arg2[%dma_start3A_19, %dma_start3A_20] : memref<100000x2048xf32, #tpu.memory_space<hbm>> -> memref<100000x2048xf32, #tpu.memory_space<hbm>>
    tpu.enqueue_indirect_dma source(%dma_start3A_21 : memref<100000x2048xf32, #tpu.memory_space<hbm>>) target(%arg6 : memref<32x2048xf32, #tpu.memory_space<vmem>>) offsets(%arg5 : memref<32xi32, #tpu.memory_space<vmem>>) semaphore(%arg7 : memref<!tpu.dma_semaphore, #tpu.memory_space<semaphore_mem>>)
    %dma_wait3A_22 = arith.constant 0 : i32
    %dma_wait3A_23 = arith.constant 0 : i32
    %dma_wait3A_24 = tpu.memref_slice %arg2[%dma_wait3A_22, %dma_wait3A_23] : memref<100000x2048xf32, #tpu.memory_space<hbm>> -> memref<100000x2048xf32, #tpu.memory_space<hbm>>
    tpu.wait_indirect_dma semaphore(%arg7 : memref<!tpu.dma_semaphore, #tpu.memory_space<semaphore_mem>>) src(%dma_wait3A_24 : memref<100000x2048xf32, #tpu.memory_space<hbm>>) dst(%arg6 : memref<32x2048xf32, #tpu.memory_space<vmem>>)
    "tpu.region"() ({
      %run_scoped3A = tpu.sem_alloc : memref<!tpu.dma_semaphore, #tpu.memory_space<semaphore_mem>>
      %dma_start3A_33 = arith.constant 2560 : i32
      %dma_start3A_34 = tpu.memref_slice %arg4[%add3A_18, %dma_start3A_33] : memref<4096x39424xf32, #tpu.memory_space<hbm>> -> memref<32x2048xf32, #tpu.memory_space<hbm>>
      %dma_start3A_35 = arith.constant 2560 : i32
      %dma_start3A_36 = tpu.memref_slice %arg4[%add3A_18, %dma_start3A_35] : memref<4096x39424xf32, #tpu.memory_space<hbm>> -> memref<32x2048xf32, #tpu.memory_space<hbm>>
      tpu.enqueue_dma source(%arg6 : memref<32x2048xf32, #tpu.memory_space<vmem>>) target(%dma_start3A_36 : memref<32x2048xf32, #tpu.memory_space<hbm>>) target_semaphore(%run_scoped3A : memref<!tpu.dma_semaphore, #tpu.memory_space<semaphore_mem>>)
      %dma_wait3A_37 = arith.constant 2560 : i32
      %dma_wait3A_38 = tpu.memref_slice %arg4[%add3A_18, %dma_wait3A_37] : memref<4096x39424xf32, #tpu.memory_space<hbm>> -> memref<32x2048xf32, #tpu.memory_space<hbm>>
      %dma_wait3A_39 = arith.constant 2560 : i32
      %dma_wait3A_40 = tpu.memref_slice %arg4[%add3A_18, %dma_wait3A_39] : memref<4096x39424xf32, #tpu.memory_space<hbm>> -> memref<32x2048xf32, #tpu.memory_space<hbm>>
      tpu.wait_dma2 semaphore(%run_scoped3A : memref<!tpu.dma_semaphore, #tpu.memory_space<semaphore_mem>>) src(%arg6 : memref<32x2048xf32, #tpu.memory_space<vmem>>) dst(%dma_wait3A_40 : memref<32x2048xf32, #tpu.memory_space<hbm>>)
      tpu.yield
    }) : () -> ()
    %add3A_25 = arith.constant 96 : i32
    %add3A_26 = arith.addi %mul3A_2, %add3A_25 : i32
    "tpu.region"() ({
      %run_scoped3A = tpu.sem_alloc : memref<!tpu.dma_semaphore, #tpu.memory_space<semaphore_mem>>
      %dma_start3A_33 = tpu.memref_slice %arg3[%add3A_26] : memref<4096xi32, #tpu.memory_space<hbm>> -> memref<32xi32, #tpu.memory_space<hbm>>
      %dma_start3A_34 = tpu.memref_slice %arg3[%add3A_26] : memref<4096xi32, #tpu.memory_space<hbm>> -> memref<32xi32, #tpu.memory_space<hbm>>
      tpu.enqueue_dma source(%dma_start3A_34 : memref<32xi32, #tpu.memory_space<hbm>>) target(%arg5 : memref<32xi32, #tpu.memory_space<vmem>>) target_semaphore(%run_scoped3A : memref<!tpu.dma_semaphore, #tpu.memory_space<semaphore_mem>>)
      %dma_wait3A_35 = tpu.memref_slice %arg3[%add3A_26] : memref<4096xi32, #tpu.memory_space<hbm>> -> memref<32xi32, #tpu.memory_space<hbm>>
      %dma_wait3A_36 = tpu.memref_slice %arg3[%add3A_26] : memref<4096xi32, #tpu.memory_space<hbm>> -> memref<32xi32, #tpu.memory_space<hbm>>
      tpu.wait_dma2 semaphore(%run_scoped3A : memref<!tpu.dma_semaphore, #tpu.memory_space<semaphore_mem>>) src(%dma_wait3A_36 : memref<32xi32, #tpu.memory_space<hbm>>) dst(%arg5 : memref<32xi32, #tpu.memory_space<vmem>>)
      tpu.yield
    }) : () -> ()
    %dma_start3A_27 = arith.constant 0 : i32
    %dma_start3A_28 = arith.constant 0 : i32
    %dma_start3A_29 = tpu.memref_slice %arg2[%dma_start3A_27, %dma_start3A_28] : memref<100000x2048xf32, #tpu.memory_space<hbm>> -> memref<100000x2048xf32, #tpu.memory_space<hbm>>
    tpu.enqueue_indirect_dma source(%dma_start3A_29 : memref<100000x2048xf32, #tpu.memory_space<hbm>>) target(%arg6 : memref<32x2048xf32, #tpu.memory_space<vmem>>) offsets(%arg5 : memref<32xi32, #tpu.memory_space<vmem>>) semaphore(%arg7 : memref<!tpu.dma_semaphore, #tpu.memory_space<semaphore_mem>>)
    %dma_wait3A_30 = arith.constant 0 : i32
    %dma_wait3A_31 = arith.constant 0 : i32
    %dma_wait3A_32 = tpu.memref_slice %arg2[%dma_wait3A_30, %dma_wait3A_31] : memref<100000x2048xf32, #tpu.memory_space<hbm>> -> memref<100000x2048xf32, #tpu.memory_space<hbm>>
    tpu.wait_indirect_dma semaphore(%arg7 : memref<!tpu.dma_semaphore, #tpu.memory_space<semaphore_mem>>) src(%dma_wait3A_32 : memref<100000x2048xf32, #tpu.memory_space<hbm>>) dst(%arg6 : memref<32x2048xf32, #tpu.memory_space<vmem>>)
    "tpu.region"() ({
      %run_scoped3A = tpu.sem_alloc : memref<!tpu.dma_semaphore, #tpu.memory_space<semaphore_mem>>
      %dma_start3A_33 = arith.constant 2560 : i32
      %dma_start3A_34 = tpu.memref_slice %arg4[%add3A_26, %dma_start3A_33] : memref<4096x39424xf32, #tpu.memory_space<hbm>> -> memref<32x2048xf32, #tpu.memory_space<hbm>>
      %dma_start3A_35 = arith.constant 2560 : i32
      %dma_start3A_36 = tpu.memref_slice %arg4[%add3A_26, %dma_start3A_35] : memref<4096x39424xf32, #tpu.memory_space<hbm>> -> memref<32x2048xf32, #tpu.memory_space<hbm>>
      tpu.enqueue_dma source(%arg6 : memref<32x2048xf32, #tpu.memory_space<vmem>>) target(%dma_start3A_36 : memref<32x2048xf32, #tpu.memory_space<hbm>>) target_semaphore(%run_scoped3A : memref<!tpu.dma_semaphore, #tpu.memory_space<semaphore_mem>>)
      %dma_wait3A_37 = arith.constant 2560 : i32
      %dma_wait3A_38 = tpu.memref_slice %arg4[%add3A_26, %dma_wait3A_37] : memref<4096x39424xf32, #tpu.memory_space<hbm>> -> memref<32x2048xf32, #tpu.memory_space<hbm>>
      %dma_wait3A_39 = arith.constant 2560 : i32
      %dma_wait3A_40 = tpu.memref_slice %arg4[%add3A_26, %dma_wait3A_39] : memref<4096x39424xf32, #tpu.memory_space<hbm>> -> memref<32x2048xf32, #tpu.memory_space<hbm>>
      tpu.wait_dma2 semaphore(%run_scoped3A : memref<!tpu.dma_semaphore, #tpu.memory_space<semaphore_mem>>) src(%arg6 : memref<32x2048xf32, #tpu.memory_space<vmem>>) dst(%dma_wait3A_40 : memref<32x2048xf32, #tpu.memory_space<hbm>>)
      tpu.yield
    }) : () -> ()
    return
  }
}

module attributes {stable_mosaic.version = 14 : i64} {
  func.func @body(%arg0: i32, %arg1: i32, %arg2: memref<1x1x512xf32, #tpu.memory_space<vmem>>, %arg3: memref<4096x39424xf32, #tpu.memory_space<any>>, %arg4: memref<64x512xf32, #tpu.memory_space<vmem>>) attributes {dimension_semantics = [#tpu.dimension_semantics<arbitrary>, #tpu.dimension_semantics<arbitrary>], iteration_bounds = array<i64: 64, 73>, scalar_prefetch = 0 : i64, scratch_operands = 0 : i64, tpu.core_type = #tpu.core_type<tc>, window_params = [{transform_indices = @transform_0, window_bounds = array<i64: 1, 1, 512>}, {}, {transform_indices = @transform_2, window_bounds = array<i64: 64, 512>}]} {
    %get3A = arith.constant 0 : index
    %get3A_0 = arith.constant 0 : index
    %get3A_1 = arith.constant 0 : index
    %get3A_2 = vector.load %arg2[%get3A, %get3A_0, %get3A_1] : memref<1x1x512xf32, #tpu.memory_space<vmem>>, vector<1x1x512xf32>
    %get3A_3 = vector.shape_cast %get3A_2 : vector<1x1x512xf32> to vector<1x512xf32>
    %broadcast_in_dim3A = vector.shape_cast %get3A_3 : vector<1x512xf32> to vector<1x512xf32>
    %broadcast_in_dim3A_4 = vector.broadcast %broadcast_in_dim3A : vector<1x512xf32> to vector<64x512xf32>
    %swap3A = arith.constant 0 : index
    %swap3A_5 = arith.constant 0 : index
    %swap3A_6 = vector.load %arg4[%swap3A, %swap3A_5] : memref<64x512xf32, #tpu.memory_space<vmem>>, vector<64x512xf32>
    tpu.vector_store %arg4[%swap3A, %swap3A_5], %broadcast_in_dim3A_4 {strides = array<i32>} : memref<64x512xf32, #tpu.memory_space<vmem>>, vector<64x512xf32>,
    return
  }
  func.func @transform_0(%arg0: i32, %arg1: i32) -> (i32, i32, i32) {
    %c0_i32 = arith.constant 0 : i32
    %c0_i32_0 = arith.constant 0 : i32
    %c0_i32_1 = arith.constant 0 : i32
    return %arg1, %c0_i32, %c0_i32_0 : i32, i32, i32
  }
  func.func @transform_2(%arg0: i32, %arg1: i32) -> (i32, i32) {
    %lt3A = arith.constant 5 : i32
    %lt3A_0 = arith.cmpi slt, %arg1, %lt3A : i32
    %add3A = arith.constant 4 : i32
    %add3A_1 = arith.addi %arg1, %add3A : i32
    %select_n3A = arith.select %lt3A_0, %arg1, %add3A_1 : i32
    %c0_i32 = arith.constant 0 : i32
    return %arg0, %select_n3A : i32, i32
  }
}

</mosaic_0001>

<sc_bundles>
// kernel: kernel.4.cloned.1.call-start
scs
__scs_entry_jumppad:
0x0: {  	(pc) =	sbr.rel $0x88, $3  }
0x1: {  	(tag) =	ssettag $0x0;
	lr =	simm.s32 $0x1  }
0x2: {  	[smem:$0x3F9D] =	sst lr;
	_ =	strace $0xD0000000  }
0x3: {  	_ = 	snop  }
0x4: {  	_ = 	snop  }
0x5: {  	_ = 	snop  }
0x6: {  	_ = 	snop  }
0x7: {  	_ = 	snop  }
__scs_overlays_trampoline_lowered:
0x8: {  	[smem:$0x3FAC] =	sst s0  }
0x9: {  	[smem:$0x3FAD] =	sst s1  }
0xa: {  	[smem:$0x3FAE] =	sst s2  }
0xb: {  	[smem:$0x3FAF] =	sst s3  }
0xc: {  	[smem:$0x3FB0] =	sst s4  }
0xd: {  	[smem:$0x3FB1] =	sst s5  }
0xe: {  	[smem:$0x3FB2] =	sst s6  }
0xf: {  	[smem:$0x3FB3] =	sst s7  }
0x10: {  	[smem:$0x3FB4] =	sst s8  }
0x11: {  	[smem:$0x3FB5] =	sst s9;
	s0 =	simm.s32 @!p0 $0x0  }
0x12: {  	s1 =	sld [smem:$0x3F9B];
	s0 =	simm.s32 @p0 $0x1  }
0x13: {  	[smem:$0x3FB6] =	sst s0;
	s0 =	simm.s32 @!p1 $0x0  }
0x14: {  	s2 =	sld [smem:$0x3F9A];
	s0 =	simm.s32 @p1 $0x1  }
0x15: {  	[smem:$0x3FB7] =	sst s0;
	s0 =	simm.s32 @!p2 $0x0  }
0x16: {  	s3 =	sld [smem:$0x3FDB];
	s0 =	simm.s32 @p2 $0x1  }
0x17: {  	s4 =	simm.s32 $0x1BF5;
	[smem:$0x3FB9] =	sst s0  }
0x18: {  	s0 =	sld [smem:$0x3F9C];
	_ =	swait.ge [sflag:s4], $0x0  }
0x19: {  	s7 =	sld [smem:$0x3F9D]  }
0x1a: {  	s8 =	sadd.s32 $0xFFFFE003, lr  }
0x1b: {  	s9 =	sadd.s32 $0xFFFFFEF7, lr;
	s5 =	simm.s32 $0xFFFFFFFF;
	p2 =	slt.u32 s8, $0xFFFFF086  }
0x1c: {  	p1 =	slt.u32 s9, $0xF7A;
	s5 =	simm.s32 @!p2 $0x0  }
0x1d: {  	s5 =	simm.s32 @p1 $0x1;
	p0 =	seq.s32 s7, s2  }
0x1e: {  	s7 =	smul.u32 @!p0 $0xF7A, s2;
	p2 =	seq.s32 @!p0 s5, $0x0  }
0x1f: {  	s9 =	smul.u32 $0xF7A, s1;
	s8 =	simm.s32 @!p0 $0x1BF5;
	p2 =	por !p2, p0  }
0x20: {  	[sflag:s8] =	ssyncset.s32 @!p0 $0xFFFFF086;
	s6 =	sadd.s32 @!p0 s3, s7;
	s7 =	simm.s32 @!p0 $0x108  }
0x21: {  	s3 =	sadd.s32 s3, s9;
	s6 =	sadd.s32 @!p0 $0x88, s6;
	s7 =	simm.s32 @p2 $0x1082  }
0x22: {  	[simem:s7], [sflag:s8] =	dma.local @!p0 [hbm:s6], $0xF7A  }
0x23: {  	s9 =	sor.u32 $0xD0000000, s2;
	s6 =	simm.s32 $0x108;
	_ =	swait.ge @!p0 [sflag:s8], $0x0  }
0x24: {  	s3 =	sadd.s32 $0x88, s3;
	s6 =	simm.s32 @!p1 $0x1082;
	[sflag:s4] =	ssyncset.s32 $0xFFFFF086  }
0x25: {  	[simem:s6], [sflag:s4] =	dma.local [hbm:s3], $0xF7A  }
0x26: {  	[smem:$0x3F9D] =	sst s1;
	(tag) =	ssettag s2;
	_ =	strace s9  }
0x27: {  	s1 =	sld [smem:$0x3FAD]  }
0x28: {  	s2 =	sld [smem:$0x3FAE]  }
0x29: {  	s4 =	sld [smem:$0x3FB0]  }
0x2a: {  	p0 =	seq.s32 s5, $0x0;
	s5 =	sld [smem:$0x3FB1]  }
0x2b: {  	s6 =	sld [smem:$0x3FB2]  }
0x2c: {  	s7 =	sld [smem:$0x3FB3]  }
0x2d: {  	s3 =	simm.s32 $0x108;
	s8 =	sld [smem:$0x3FB4]  }
0x2e: {  	s3 =	simm.s32 @!p0 $0x1082;
	s9 =	sld [smem:$0x3FB5]  }
0x2f: {  	lr =	sadd.s32 s0, s3;
	s0 =	sld [smem:$0x3FAC]  }
0x30: {  	s3 =	sld [smem:$0x3FAF]  }
0x31: {  	[smem:$0x3FB8] =	sst s10  }
0x32: {  	s10 =	sld [smem:$0x3FB6];
	_ =	sdelay $0x3  }
0x33: {  	p0 =	seq.s32 s10, $0x1;
	s10 =	sld [smem:$0x3FB8];
	_ =	sdelay $0x3  }
0x34: {  	[smem:$0x3FB8] =	sst s10  }
0x35: {  	s10 =	sld [smem:$0x3FB7];
	_ =	sdelay $0x3  }
0x36: {  	p1 =	seq.s32 s10, $0x1;
	s10 =	sld [smem:$0x3FB8];
	_ =	sdelay $0x3  }
0x37: {  	[smem:$0x3FB8] =	sst s10  }
0x38: {  	s10 =	sld [smem:$0x3FB9]  }
0x39: {  	_ = 	snop;
	(pc) =	sbr.ind lr, $3  }
0x3a: {  	_ = 	snop  }
0x3b: {  	_ = 	snop  }
0x3c: {  	p2 =	seq.s32 s10, $0x1;
	s10 =	sld [smem:$0x3FB8]  }
0x3d: {  	_ =	shalt  }
0x3e: {  	_ =	shalt  }
0x3f: {  	_ =	shalt  }
0x40: {  	_ =	shalt  }
0x41: {  	_ =	shalt  }
0x42: {  	_ =	shalt  }
0x43: {  	_ =	shalt  }
0x44: {  	_ =	shalt  }
0x45: {  	_ =	shalt  }
0x46: {  	_ =	shalt  }
0x47: {  	_ =	shalt  }
0x48: {  	_ =	shalt  }
0x49: {  	_ =	shalt  }
0x4a: {  	_ =	shalt  }
0x4b: {  	_ =	shalt  }
0x4c: {  	_ =	shalt  }
0x4d: {  	_ =	shalt  }
0x4e: {  	_ =	shalt  }
0x4f: {  	_ =	shalt  }
0x50: {  	_ =	shalt  }
0x51: {  	_ =	shalt  }
0x52: {  	_ =	shalt  }
0x53: {  	_ =	shalt  }
0x54: {  	_ =	shalt  }
0x55: {  	_ =	shalt  }
0x56: {  	_ =	shalt  }
0x57: {  	_ =	shalt  }
0x58: {  	_ =	shalt  }
0x59: {  	_ =	shalt  }
0x5a: {  	_ =	shalt  }
0x5b: {  	_ =	shalt  }
0x5c: {  	_ =	shalt  }
0x5d: {  	_ =	shalt  }
0x5e: {  	_ =	shalt  }
0x5f: {  	_ =	shalt  }
0x60: {  	_ =	shalt  }
0x61: {  	_ =	shalt  }
0x62: {  	_ =	shalt  }
0x63: {  	_ =	shalt  }
0x64: {  	_ =	shalt  }
0x65: {  	_ =	shalt  }
0x66: {  	_ =	shalt  }
0x67: {  	_ =	shalt  }
0x68: {  	_ =	shalt  }
0x69: {  	_ =	shalt  }
0x6a: {  	_ =	shalt  }
0x6b: {  	_ =	shalt  }
0x6c: {  	_ =	shalt  }
0x6d: {  	_ =	shalt  }
0x6e: {  	_ =	shalt  }
0x6f: {  	_ =	shalt  }
0x70: {  	_ =	shalt  }
0x71: {  	_ =	shalt  }
0x72: {  	_ =	shalt  }
0x73: {  	_ =	shalt  }
0x74: {  	_ =	shalt  }
0x75: {  	_ =	shalt  }
0x76: {  	_ =	shalt  }
0x77: {  	_ =	shalt  }
0x78: {  	_ =	shalt  }
0x79: {  	_ =	shalt  }
0x7a: {  	_ =	shalt  }
0x7b: {  	_ =	shalt  }
0x7c: {  	_ =	shalt  }
0x7d: {  	_ =	shalt  }
0x7e: {  	_ =	shalt  }
0x7f: {  	_ =	shalt  }
0x80: {  	_ =	shalt  }
0x81: {  	_ =	shalt  }
0x82: {  	_ =	shalt  }
0x83: {  	_ =	shalt  }
0x84: {  	_ =	shalt  }
0x85: {  	_ =	shalt  }
0x86: {  	_ =	shalt  }
0x87: {  	_ =	shalt  }
.Lfunc_end0:
.L_simem_size_0:
called_computation.2_lowered:
.L_overlay_start_0:
0x88: {  	s2 =	sld [smem:$0x3FD9]  }
0x89: {  	s3 =	sld [smem:$0x3FFE];
	_ =	sdelay $0x1  }
0x8a: {  	s1 =	srdreg.scid  }
0x8b: {  	s0 =	sand.u32 $0x1, s1  }
0x8c: {  	s17 =	sshll.u32 s0, $0xA;
	s2 =	sadd.s32 s3, s2  }
0x8d: {  	s2 =	sadd.s32 s2, s17  }
0x8e: {  	[smem:$0x3FC4] =	sst s2  }
0x8f: {  	_ = 	snop  }
0x90: {  	s2 =	sld [smem:$0x3FC9]  }
0x91: {  	s18 =	sld [smem:$0x3FD0];
	(tm) =	ssettm $0x1  }
0x92: {  	s4 =	sld [smem:$0x3FFB];
	_ =	sdelay $0x3  }
0x93: {  	_ =	strace s4  }
0x94: {  	s4 =	sld [smem:$0x3FFC];
	_ =	sdelay $0x3  }
0x95: {  	_ =	strace s4  }
0x96: {  	s4 =	sld [smem:$0x3FFD];
	_ =	sdelay $0x3  }
0x97: {  	_ =	strace s4  }
0x98: {  	_ =	strace $0x8FFFFFFF  }
0x99: {  	s19 =	sld [smem:$0x3FDB];
	_ =	sdelay $0x1  }
0x9a: {  	s5 =	simm.s32 $_scs_section_size  }
0x9b: {  	s6 =	simm.s32 $_size__tile_overlayer_lowered;
	s7 =	simm.s32 $_tile_overlayer_lowered  }
0x9c: {  	s22 =	simm.s32 $0x1BFF;
	s21 =	sshll.u32 s7, $0x1;
	s4 =	sadd.s32 s5, s19  }
0x9d: {  	s8 =	simm.s32 $0x0;
	s20 =	sshll.u32 s6, $0x1;
	s6 =	sadd.s32 s21, s4  }
0x9e: {  	[timem:s8], [sflag:s22] =	dma.local [hbm:s6], s20  }
0x9f: {  	_ =	swait.ge [sflag:s22], s20  }
0xa0: {  	s5 =	ssub.s32 $0x0, s20;
	[sflag:s22] =	ssyncset.done $0x0  }
0xa1: {  	[sflag:s22] =	ssyncadd.s32 s5;
	_ =	sdelay $0x1  }
0xa2: {  	s23 =	simm.s32 $0x1B8B  }
0xa3: {  	_ =	swait.ge [sflag:s23], $0x1  }
0xa4: {  	[sflag:s23] =	ssyncset.done $0x0  }
0xa5: {  	s25 =	simm.s32 $0x1B8E;
	s24 =	sld [smem:$0x3FFE];
	[sflag:s23] =	ssyncadd.s32 $0xFFFFFFFF  }
0xa6: {  	s26 =	simm.s32 $execute0_lowered;
	[smem:$0x3FD2] =	sst s25  }
0xa7: {  	s6 =	sshll.u32 s26, $0x1;
	_ =	strace $0x80000049;
	[dreg:$0x1] =	wrdreg $0xFFFFFFFF  }
0xa8: {  	s28 =	simm.s32 $_size_execute0_lowered;
	s4 =	sadd.s32 s4, s6;
	[dreg:$0x0] =	wrdreg $0x0  }
0xa9: {  	s6 =	sshll.u32 s28, $0x1;
	[dreg:$0x2] =	wrdreg s4  }
0xaa: {  	[dreg:$0x3] =	wrdreg s6  }
0xab: {  	[dreg:$0x4] =	wrdreg $0xC0  }
0xac: {  	_ =	task [dreg:s8], $0x5FFFF  }
0xad: {  	[dreg:$0x1] =	wrdreg $0xFFFFFFFF  }
0xae: {  	[dreg:$0x0] =	wrdreg $0x60  }
0xaf: {  	[dreg:$0x2] =	wrdreg s24  }
0xb0: {  	[dreg:$0x3] =	wrdreg s2  }
0xb1: {  	[dreg:$0x4] =	wrdreg s18  }
0xb2: {  	[dreg:$0x5] =	wrdreg $0x9  }
0xb3: {  	_ =	task.clear_ibuf [dreg:s8], $0x6FFFF;
	_ =	strace $0x90000049  }
0xb4: {  	s29 =	simm.s32 $0x9;
	_ =	strace $0x8000004B  }
0xb5: {  	_ =	swait.ge [sflag:s29], $0x1  }
0xb6: {  	[sflag:s29] =	ssyncadd.s32 $0xFFFFFFFF  }
0xb7: {  	_ =	strace $0x9000004B  }
0xb8: {  	_ =	sfence  }
0xb9: {  	s30 =	sld [smem:$0x0];
	_ =	sdelay $0x2  }
0xba: {  	s31 =	sshll.u32 s1, $0xD;
	s1 =	sshrl.u32 s1, $0x2  }
0xbb: {  	s3 =	sand.u32 $0x4000, s31;
	s1 =	sadd.s32 s1, s30  }
0xbc: {  	s0 =	sor.u32 s3, s0;
	s1 =	sshll.u32 s1, $0x11  }
0xbd: {  	s0 =	sor.u32 s1, s0  }
0xbe: {  	s0 =	sadd.s32 $0x8F2B, s0  }
0xbf: {  	[sflag:s0] =	ssyncadd.remote.s32 $0x1  }
0xc0: {  	_ =	sfence.sel $0xFFFF  }
0xc1: {  	[dreg:$0x0] =	wrdreg $0xFFFFFFFF;
	(pc) =	sbr.abs _section_cstart, $3  }
0xc2: {  	[dreg:$0x1] =	wrdreg $0xFFFFFFFF  }
0xc3: {  	_ =	task.clear_ibuf [dreg:s8], $0x2FFFF;
	_ =	strace $0x9FFFFFFF  }
0xc4: {  	(tm) =	ssettm $0x7FFFFFFF  }
0xc5: {  	_ =	shalt  }
tec
execute0_lowered:
.L_overlay_start_1:
0x0: {  	(tag) =	ssettag $0x1  }
0x1: {  	s0 =	rddreg [dreg:$0x0]  }
0x2: {  	s1 =	rddreg [dreg:$0x1]  }
0x3: {  	s6 =	rddreg [dreg:$0x2];
	s2 =	simm.s32 $0x0;
	s3 =	srdreg.scid  }
0x4: {  	s5 =	stileid.u32;
	[smem:$0x7FF] =	sst s2;
	s3 =	sand.u32 $0x1, s3  }
0x5: {  	s5 =	sshll.u32 s5, $0x5;
	s10 =	sadd.s32 $0xA00, s6;
	s6 =	sadd.s32 $0x1300, s0  }
0x6: {  	s4 =	ssub.s32 $0x2, s3;
	s3 =	sshll.u32 s3, $0x4;
	_ =	strace $0x8000004A  }
0x7: {  	s7 =	sshrl.u32 s4, $0x1;
	s8 =	sor.u32 s3, s5;
	s3 =	sadd.s32 $0x1000, s0  }
0x8: {  	s5 =	sadd.s32 $0x1200, s0;
	s11 =	ssub.s32 s4, s7;
	s22 =	sadd.s32 s1, s8  }
0x9: {  	s4 =	sadd.s32 $0x1100, s0;
	s23 =	smul.u32 $0x9A00, s8;
	s9 =	sor.u32 $0x4, s8  }
0xa: {  	s7 =	sadd.s32 $0x1400, s0;
	s25 =	sor.u32 $0x8, s8;
	s14 =	sor.u32 $0xC, s8  }
0xb: {  	[dreg:$0x4] =	wrdreg s22;
	s13 =	smul.u32 $0x4D000, s9;
	s9 =	sadd.s32 s1, s9  }
0xc: {  	s8 =	sadd.s32 $0x1500, s0;
	s28 =	sadd.s32 s1, s25;
	[dreg:$0x6] =	wrdreg s9  }
0xd: {  	s26 =	smul.u32 $0x9A00, s25;
	s1 =	sadd.s32 s1, s14;
	[dreg:$0x8] =	wrdreg s28  }
0xe: {  	s29 =	smul.u32 $0x4D000, s14;
	s12 =	sadd.s32 s23, s10;
	[dreg:$0xa] =	wrdreg s1  }
0xf: {  	s11 =	smax.u32 s11, $0x1;
	s1 =	simm.s32 $0x80;
	[dreg:$0x5] =	wrdreg s12  }
0x10: {  	s24 =	sshrl.u32 s13, $0x3;
	s30 =	sadd.s32 s26, s10;
	s12 =	sshrl.u32 s29, $0x3  }
0x11: {  	v2 =	vlaneseq.u32;
	s26 =	simm.s32 $0x1;
	s9 =	sadd.s32 s24, s10;
	[dreg:$0x9] =	wrdreg s30  }
0x12: {  	vm0 =	vmmov $0xffff;
	v1 =	vshrl.u32 v2, $0x3;
	s31 =	sadd.s32 s12, s10;
	s10 =	sadd.s32 $0x1700, s0;
	[dreg:$0x7] =	wrdreg s9  }
0x13: {  	v0 =	vand.u32 $0x7, v2;
	v2 =	vor.u32 $0x8, v2;
	v1 =	vmul.u32 $0x8, v1;
	s12 =	simm.s32 $0x2;
	s9 =	sadd.s32 $0x1600, s0;
	[dreg:$0xb] =	wrdreg s31  }
.LBB2_1:
0x14: {  	s30 =	rddreg [dreg:$0x4]  }
0x15: {  	[tilespmem:s2], [sflag:$0x2] =	stream.linear.gather [hbm4b:s30+s2], $0x20, $0x38;
	[tilespmem:$0x10080] =	vst v63  }
0x16: {  	_ =	swait.ge [sflag:s12], $0x20  }
0x17: {  	[sflag:s12] =	ssyncset.done $0x0  }
0x18: {  	[sflag:s12] =	ssyncadd.s32 $0xFFFFFFE0  }
0x19: {  	v3 =	vld [tilespmem:$0x0];
	_ =	sdelay $0x4  }
0x1a: {  	v4 =	vshll.u32 v3, $0x4  }
0x1b: {  	v3 =	vand.u32 $0x7, v3;
	v4 =	vand.u32 $0xFFFFFF80, v4  }
0x1c: {  	v3 =	vor.u32 v3, v4  }
0x1d: {  	v4 =	vperm.xlane v3, v0;
	_ =	sdelay $0x1  }
0x1e: {  	v4 =	vadd.s32 v1, v4;
	_ =	sdelay $0x4  }
0x1f: {  	[tilespmem:s1], [sflag:$0x1] =	stream.indirect_vreg.gather [hbm4b:s3+s2], $0x80, v4, vm0, $0xb8;
	[tilespmem:$0x10080] =	vst v63  }
0x20: {  	s0 =	simm.s32 $0x880  }
0x21: {  	[tilespmem:s0], [sflag:$0x1] =	stream.indirect_vreg.gather [hbm4b:s4+s2], $0x80, v4, vm0, $0xb8;
	[tilespmem:$0x10080] =	vst v63  }
0x22: {  	s24 =	simm.s32 $0x1080  }
0x23: {  	[tilespmem:s24], [sflag:$0x1] =	stream.indirect_vreg.gather [hbm4b:s5+s2], $0x80, v4, vm0, $0xb8;
	[tilespmem:$0x10080] =	vst v63  }
0x24: {  	s28 =	simm.s32 $0x1880  }
0x25: {  	[tilespmem:s28], [sflag:$0x1] =	stream.indirect_vreg.gather [hbm4b:s6+s2], $0x80, v4, vm0, $0xb8;
	[tilespmem:$0x10080] =	vst v63  }
0x26: {  	s29 =	simm.s32 $0x2080  }
0x27: {  	[tilespmem:s29], [sflag:$0x1] =	stream.indirect_vreg.gather [hbm4b:s7+s2], $0x80, v4, vm0, $0xb8;
	[tilespmem:$0x10080] =	vst v63  }
0x28: {  	s30 =	simm.s32 $0x2880;
	v3 =	vperm.xlane v3, v2  }
0x29: {  	[tilespmem:s30], [sflag:$0x1] =	stream.indirect_vreg.gather [hbm4b:s8+s2], $0x80, v4, vm0, $0xb8;
	[tilespmem:$0x10080] =	vst v63  }
0x2a: {  	s13 =	simm.s32 $0x3080;
	v3 =	vadd.s32 v1, v3  }
0x2b: {  	[tilespmem:s13], [sflag:$0x1] =	stream.indirect_vreg.gather [hbm4b:s9+s2], $0x80, v4, vm0, $0xb8;
	[tilespmem:$0x10080] =	vst v63  }
0x2c: {  	s14 =	simm.s32 $0x3880  }
0x2d: {  	[tilespmem:s14], [sflag:$0x1] =	stream.indirect_vreg.gather [hbm4b:s10+s2], $0x80, v4, vm0, $0xb8;
	[tilespmem:$0x10080] =	vst v63  }
0x2e: {  	s15 =	simm.s32 $0x4080  }
0x2f: {  	[tilespmem:s15], [sflag:$0x1] =	stream.indirect_vreg.gather [hbm4b:s3+s2], $0x80, v3, vm0, $0xb8;
	[tilespmem:$0x10080] =	vst v63  }
0x30: {  	s16 =	simm.s32 $0x4880  }
0x31: {  	[tilespmem:s16], [sflag:$0x1] =	stream.indirect_vreg.gather [hbm4b:s4+s2], $0x80, v3, vm0, $0xb8;
	[tilespmem:$0x10080] =	vst v63  }
0x32: {  	s17 =	simm.s32 $0x5080  }
0x33: {  	[tilespmem:s17], [sflag:$0x1] =	stream.indirect_vreg.gather [hbm4b:s5+s2], $0x80, v3, vm0, $0xb8;
	[tilespmem:$0x10080] =	vst v63  }
0x34: {  	s18 =	simm.s32 $0x5880  }
0x35: {  	[tilespmem:s18], [sflag:$0x1] =	stream.indirect_vreg.gather [hbm4b:s6+s2], $0x80, v3, vm0, $0xb8;
	[tilespmem:$0x10080] =	vst v63  }
0x36: {  	s19 =	simm.s32 $0x6080  }
0x37: {  	[tilespmem:s19], [sflag:$0x1] =	stream.indirect_vreg.gather [hbm4b:s7+s2], $0x80, v3, vm0, $0xb8;
	[tilespmem:$0x10080] =	vst v63  }
0x38: {  	s20 =	simm.s32 $0x6880  }
0x39: {  	[tilespmem:s20], [sflag:$0x1] =	stream.indirect_vreg.gather [hbm4b:s8+s2], $0x80, v3, vm0, $0xb8;
	[tilespmem:$0x10080] =	vst v63  }
0x3a: {  	s21 =	simm.s32 $0x7080  }
0x3b: {  	[tilespmem:s21], [sflag:$0x1] =	stream.indirect_vreg.gather [hbm4b:s9+s2], $0x80, v3, vm0, $0xb8;
	[tilespmem:$0x10080] =	vst v63  }
0x3c: {  	s22 =	simm.s32 $0x7880  }
0x3d: {  	[tilespmem:s22], [sflag:$0x1] =	stream.indirect_vreg.gather [hbm4b:s10+s2], $0x80, v3, vm0, $0xb8;
	[tilespmem:$0x10080] =	vst v63  }
0x3e: {  	v3 =	vld [tilespmem:$0x10];
	_ =	sdelay $0x4  }
0x3f: {  	v57 =	vshll.u32 v3, $0x4  }
0x40: {  	v3 =	vand.u32 $0x7, v3;
	v4 =	vand.u32 $0xFFFFFF80, v57  }
0x41: {  	v3 =	vor.u32 v3, v4  }
0x42: {  	v4 =	vperm.xlane v3, v0;
	_ =	sdelay $0x1  }
0x43: {  	v4 =	vadd.s32 v1, v4;
	_ =	sdelay $0x3  }
0x44: {  	s23 =	simm.s32 $0x8080  }
0x45: {  	[tilespmem:s23], [sflag:$0x1] =	stream.indirect_vreg.gather [hbm4b:s3+s2], $0x80, v4, vm0, $0xb8;
	[tilespmem:$0x10080] =	vst v63  }
0x46: {  	s28 =	simm.s32 $0x8880  }
0x47: {  	[tilespmem:s28], [sflag:$0x1] =	stream.indirect_vreg.gather [hbm4b:s4+s2], $0x80, v4, vm0, $0xb8;
	[tilespmem:$0x10080] =	vst v63  }
0x48: {  	s30 =	simm.s32 $0x9080  }
0x49: {  	[tilespmem:s30], [sflag:$0x1] =	stream.indirect_vreg.gather [hbm4b:s5+s2], $0x80, v4, vm0, $0xb8;
	[tilespmem:$0x10080] =	vst v63  }
0x4a: {  	s22 =	simm.s32 $0x9880  }
0x4b: {  	[tilespmem:s22], [sflag:$0x1] =	stream.indirect_vreg.gather [hbm4b:s6+s2], $0x80, v4, vm0, $0xb8;
	[tilespmem:$0x10080] =	vst v63  }
0x4c: {  	s28 =	simm.s32 $0xA080  }
0x4d: {  	[tilespmem:s28], [sflag:$0x1] =	stream.indirect_vreg.gather [hbm4b:s7+s2], $0x80, v4, vm0, $0xb8;
	[tilespmem:$0x10080] =	vst v63  }
0x4e: {  	v3 =	vperm.xlane v3, v2;
	s30 =	simm.s32 $0xA880  }
0x4f: {  	[tilespmem:s30], [sflag:$0x1] =	stream.indirect_vreg.gather [hbm4b:s8+s2], $0x80, v4, vm0, $0xb8;
	[tilespmem:$0x10080] =	vst v63  }
0x50: {  	v3 =	vadd.s32 v1, v3;
	s28 =	simm.s32 $0xB080  }
0x51: {  	[tilespmem:s28], [sflag:$0x1] =	stream.indirect_vreg.gather [hbm4b:s9+s2], $0x80, v4, vm0, $0xb8;
	[tilespmem:$0x10080] =	vst v63  }
0x52: {  	s30 =	simm.s32 $0xB880  }
0x53: {  	[tilespmem:s30], [sflag:$0x1] =	stream.indirect_vreg.gather [hbm4b:s10+s2], $0x80, v4, vm0, $0xb8;
	[tilespmem:$0x10080] =	vst v63  }
0x54: {  	s28 =	simm.s32 $0xC080  }
0x55: {  	[tilespmem:s28], [sflag:$0x1] =	stream.indirect_vreg.gather [hbm4b:s3+s2], $0x80, v3, vm0, $0xb8;
	[tilespmem:$0x10080] =	vst v63  }
0x56: {  	s30 =	simm.s32 $0xC880  }
0x57: {  	[tilespmem:s30], [sflag:$0x1] =	stream.indirect_vreg.gather [hbm4b:s4+s2], $0x80, v3, vm0, $0xb8;
	[tilespmem:$0x10080] =	vst v63  }
0x58: {  	s28 =	simm.s32 $0xD080  }
0x59: {  	[tilespmem:s28], [sflag:$0x1] =	stream.indirect_vreg.gather [hbm4b:s5+s2], $0x80, v3, vm0, $0xb8;
	[tilespmem:$0x10080] =	vst v63  }
0x5a: {  	s30 =	simm.s32 $0xD880  }
0x5b: {  	[tilespmem:s30], [sflag:$0x1] =	stream.indirect_vreg.gather [hbm4b:s6+s2], $0x80, v3, vm0, $0xb8;
	[tilespmem:$0x10080] =	vst v63  }
0x5c: {  	s28 =	simm.s32 $0xE080  }
0x5d: {  	[tilespmem:s28], [sflag:$0x1] =	stream.indirect_vreg.gather [hbm4b:s7+s2], $0x80, v3, vm0, $0xb8;
	[tilespmem:$0x10080] =	vst v63  }
0x5e: {  	s30 =	simm.s32 $0xE880  }
0x5f: {  	[tilespmem:s30], [sflag:$0x1] =	stream.indirect_vreg.gather [hbm4b:s8+s2], $0x80, v3, vm0, $0xb8;
	[tilespmem:$0x10080] =	vst v63  }
0x60: {  	s28 =	simm.s32 $0xF080  }
0x61: {  	[tilespmem:s28], [sflag:$0x1] =	stream.indirect_vreg.gather [hbm4b:s9+s2], $0x80, v3, vm0, $0xb8;
	[tilespmem:$0x10080] =	vst v63  }
0x62: {  	s30 =	simm.s32 $0xF880  }
0x63: {  	[tilespmem:s30], [sflag:$0x1] =	stream.indirect_vreg.gather [hbm4b:s10+s2], $0x80, v3, vm0, $0xb8;
	[tilespmem:$0x10080] =	vst v63  }
0x64: {  	_ =	swait.ge [sflag:s26], $0x10000  }
0x65: {  	s0 =	simm.s32 $0x4000;
	[sflag:s26] =	ssyncset.done $0x0  }
0x66: {  	s28 =	simm.s32 $0x4D000;
	s30 =	rddreg [dreg:$0x5];
	[sflag:s26] =	ssyncadd.s32 $0xFFFF0000  }
0x67: {  	[hbm4b:s30+s0] =	stream.strided.scatter [tilespmem:s1], [sflag:$0x2], $0x10000, s28, s0, $0x38;
	[tilespmem:$0x10080] =	vst v63  }
0x68: {  	_ =	swait.ge [sflag:s12], $0x10000  }
0x69: {  	[sflag:s12] =	ssyncset.done $0x0  }
0x6a: {  	s0 =	rddreg [dreg:$0x6];
	[sflag:s12] =	ssyncadd.s32 $0xFFFF0000  }
0x6b: {  	[tilespmem:s2], [sflag:$0x2] =	stream.linear.gather [hbm4b:s0+s2], $0x20, $0x38;
	[tilespmem:$0x10080] =	vst v63  }
0x6c: {  	_ =	swait.ge [sflag:s12], $0x20  }
0x6d: {  	[sflag:s12] =	ssyncset.done $0x0  }
0x6e: {  	[sflag:s12] =	ssyncadd.s32 $0xFFFFFFE0  }
0x6f: {  	v3 =	vld [tilespmem:$0x0];
	_ =	sdelay $0x4  }
0x70: {  	v58 =	vshll.u32 v3, $0x4  }
0x71: {  	v3 =	vand.u32 $0x7, v3;
	v4 =	vand.u32 $0xFFFFFF80, v58  }
0x72: {  	v3 =	vor.u32 v3, v4  }
0x73: {  	v4 =	vperm.xlane v3, v0;
	_ =	sdelay $0x1  }
0x74: {  	v4 =	vadd.s32 v1, v4;
	_ =	sdelay $0x4  }
0x75: {  	[tilespmem:s1], [sflag:$0x1] =	stream.indirect_vreg.gather [hbm4b:s3+s2], $0x80, v4, vm0, $0xb8;
	[tilespmem:$0x10080] =	vst v63  }
0x76: {  	s25 =	simm.s32 $0x880  }
0x77: {  	[tilespmem:s25], [sflag:$0x1] =	stream.indirect_vreg.gather [hbm4b:s4+s2], $0x80, v4, vm0, $0xb8;
	[tilespmem:$0x10080] =	vst v63  }
0x78: {  	s0 =	simm.s32 $0x1080  }
0x79: {  	[tilespmem:s0], [sflag:$0x1] =	stream.indirect_vreg.gather [hbm4b:s5+s2], $0x80, v4, vm0, $0xb8;
	[tilespmem:$0x10080] =	vst v63  }
0x7a: {  	s31 =	simm.s32 $0x1880  }
0x7b: {  	[tilespmem:s31], [sflag:$0x1] =	stream.indirect_vreg.gather [hbm4b:s6+s2], $0x80, v4, vm0, $0xb8;
	[tilespmem:$0x10080] =	vst v63  }
0x7c: {  	s24 =	simm.s32 $0x2080  }
0x7d: {  	[tilespmem:s24], [sflag:$0x1] =	stream.indirect_vreg.gather [hbm4b:s7+s2], $0x80, v4, vm0, $0xb8;
	[tilespmem:$0x10080] =	vst v63  }
0x7e: {  	v3 =	vperm.xlane v3, v2;
	s25 =	simm.s32 $0x2880  }
0x7f: {  	[tilespmem:s25], [sflag:$0x1] =	stream.indirect_vreg.gather [hbm4b:s8+s2], $0x80, v4, vm0, $0xb8;
	[tilespmem:$0x10080] =	vst v63  }
0x80: {  	s13 =	simm.s32 $0x3080;
	v3 =	vadd.s32 v1, v3  }
0x81: {  	[tilespmem:s13], [sflag:$0x1] =	stream.indirect_vreg.gather [hbm4b:s9+s2], $0x80, v4, vm0, $0xb8;
	[tilespmem:$0x10080] =	vst v63  }
0x82: {  	s14 =	simm.s32 $0x3880  }
0x83: {  	[tilespmem:s14], [sflag:$0x1] =	stream.indirect_vreg.gather [hbm4b:s10+s2], $0x80, v4, vm0, $0xb8;
	[tilespmem:$0x10080] =	vst v63  }
0x84: {  	s15 =	simm.s32 $0x4080  }
0x85: {  	[tilespmem:s15], [sflag:$0x1] =	stream.indirect_vreg.gather [hbm4b:s3+s2], $0x80, v3, vm0, $0xb8;
	[tilespmem:$0x10080] =	vst v63  }
0x86: {  	s16 =	simm.s32 $0x4880  }
0x87: {  	[tilespmem:s16], [sflag:$0x1] =	stream.indirect_vreg.gather [hbm4b:s4+s2], $0x80, v3, vm0, $0xb8;
	[tilespmem:$0x10080] =	vst v63  }
0x88: {  	s17 =	simm.s32 $0x5080  }
0x89: {  	[tilespmem:s17], [sflag:$0x1] =	stream.indirect_vreg.gather [hbm4b:s5+s2], $0x80, v3, vm0, $0xb8;
	[tilespmem:$0x10080] =	vst v63  }
0x8a: {  	s18 =	simm.s32 $0x5880  }
0x8b: {  	[tilespmem:s18], [sflag:$0x1] =	stream.indirect_vreg.gather [hbm4b:s6+s2], $0x80, v3, vm0, $0xb8;
	[tilespmem:$0x10080] =	vst v63  }
0x8c: {  	s19 =	simm.s32 $0x6080  }
0x8d: {  	[tilespmem:s19], [sflag:$0x1] =	stream.indirect_vreg.gather [hbm4b:s7+s2], $0x80, v3, vm0, $0xb8;
	[tilespmem:$0x10080] =	vst v63  }
0x8e: {  	s20 =	simm.s32 $0x6880  }
0x8f: {  	[tilespmem:s20], [sflag:$0x1] =	stream.indirect_vreg.gather [hbm4b:s8+s2], $0x80, v3, vm0, $0xb8;
	[tilespmem:$0x10080] =	vst v63  }
0x90: {  	s21 =	simm.s32 $0x7080  }
0x91: {  	[tilespmem:s21], [sflag:$0x1] =	stream.indirect_vreg.gather [hbm4b:s9+s2], $0x80, v3, vm0, $0xb8;
	[tilespmem:$0x10080] =	vst v63  }
0x92: {  	s29 =	simm.s32 $0x7880  }
0x93: {  	[tilespmem:s29], [sflag:$0x1] =	stream.indirect_vreg.gather [hbm4b:s10+s2], $0x80, v3, vm0, $0xb8;
	[tilespmem:$0x10080] =	vst v63  }
0x94: {  	v3 =	vld [tilespmem:$0x10];
	_ =	sdelay $0x4  }
0x95: {  	v59 =	vshll.u32 v3, $0x4  }
0x96: {  	v3 =	vand.u32 $0x7, v3;
	v4 =	vand.u32 $0xFFFFFF80, v59  }
0x97: {  	v3 =	vor.u32 v3, v4  }
0x98: {  	v4 =	vperm.xlane v3, v0;
	_ =	sdelay $0x1  }
0x99: {  	v4 =	vadd.s32 v1, v4;
	_ =	sdelay $0x3  }
0x9a: {  	s23 =	simm.s32 $0x8080  }
0x9b: {  	[tilespmem:s23], [sflag:$0x1] =	stream.indirect_vreg.gather [hbm4b:s3+s2], $0x80, v4, vm0, $0xb8;
	[tilespmem:$0x10080] =	vst v63  }
0x9c: {  	s29 =	simm.s32 $0x8880  }
0x9d: {  	[tilespmem:s29], [sflag:$0x1] =	stream.indirect_vreg.gather [hbm4b:s4+s2], $0x80, v4, vm0, $0xb8;
	[tilespmem:$0x10080] =	vst v63  }
0x9e: {  	s24 =	simm.s32 $0x9080  }
0x9f: {  	[tilespmem:s24], [sflag:$0x1] =	stream.indirect_vreg.gather [hbm4b:s5+s2], $0x80, v4, vm0, $0xb8;
	[tilespmem:$0x10080] =	vst v63  }
0xa0: {  	s13 =	simm.s32 $0x9880  }
0xa1: {  	[tilespmem:s13], [sflag:$0x1] =	stream.indirect_vreg.gather [hbm4b:s6+s2], $0x80, v4, vm0, $0xb8;
	[tilespmem:$0x10080] =	vst v63  }
0xa2: {  	s22 =	simm.s32 $0xA080  }
0xa3: {  	[tilespmem:s22], [sflag:$0x1] =	stream.indirect_vreg.gather [hbm4b:s7+s2], $0x80, v4, vm0, $0xb8;
	[tilespmem:$0x10080] =	vst v63  }
0xa4: {  	v3 =	vperm.xlane v3, v2;
	s23 =	simm.s32 $0xA880  }
0xa5: {  	[tilespmem:s23], [sflag:$0x1] =	stream.indirect_vreg.gather [hbm4b:s8+s2], $0x80, v4, vm0, $0xb8;
	[tilespmem:$0x10080] =	vst v63  }
0xa6: {  	s14 =	simm.s32 $0xB080;
	v3 =	vadd.s32 v1, v3  }
0xa7: {  	[tilespmem:s14], [sflag:$0x1] =	stream.indirect_vreg.gather [hbm4b:s9+s2], $0x80, v4, vm0, $0xb8;
	[tilespmem:$0x10080] =	vst v63  }
0xa8: {  	s15 =	simm.s32 $0xB880  }
0xa9: {  	[tilespmem:s15], [sflag:$0x1] =	stream.indirect_vreg.gather [hbm4b:s10+s2], $0x80, v4, vm0, $0xb8;
	[tilespmem:$0x10080] =	vst v63  }
0xaa: {  	s16 =	simm.s32 $0xC080  }
0xab: {  	[tilespmem:s16], [sflag:$0x1] =	stream.indirect_vreg.gather [hbm4b:s3+s2], $0x80, v3, vm0, $0xb8;
	[tilespmem:$0x10080] =	vst v63  }
0xac: {  	s17 =	simm.s32 $0xC880  }
0xad: {  	[tilespmem:s17], [sflag:$0x1] =	stream.indirect_vreg.gather [hbm4b:s4+s2], $0x80, v3, vm0, $0xb8;
	[tilespmem:$0x10080] =	vst v63  }
0xae: {  	s18 =	simm.s32 $0xD080  }
0xaf: {  	[tilespmem:s18], [sflag:$0x1] =	stream.indirect_vreg.gather [hbm4b:s5+s2], $0x80, v3, vm0, $0xb8;
	[tilespmem:$0x10080] =	vst v63  }
0xb0: {  	s19 =	simm.s32 $0xD880  }
0xb1: {  	[tilespmem:s19], [sflag:$0x1] =	stream.indirect_vreg.gather [hbm4b:s6+s2], $0x80, v3, vm0, $0xb8;
	[tilespmem:$0x10080] =	vst v63  }
0xb2: {  	s20 =	simm.s32 $0xE080  }
0xb3: {  	[tilespmem:s20], [sflag:$0x1] =	stream.indirect_vreg.gather [hbm4b:s7+s2], $0x80, v3, vm0, $0xb8;
	[tilespmem:$0x10080] =	vst v63  }
0xb4: {  	s21 =	simm.s32 $0xE880  }
0xb5: {  	[tilespmem:s21], [sflag:$0x1] =	stream.indirect_vreg.gather [hbm4b:s8+s2], $0x80, v3, vm0, $0xb8;
	[tilespmem:$0x10080] =	vst v63  }
0xb6: {  	s22 =	simm.s32 $0xF080  }
0xb7: {  	[tilespmem:s22], [sflag:$0x1] =	stream.indirect_vreg.gather [hbm4b:s9+s2], $0x80, v3, vm0, $0xb8;
	[tilespmem:$0x10080] =	vst v63  }
0xb8: {  	s24 =	simm.s32 $0xF880  }
0xb9: {  	[tilespmem:s24], [sflag:$0x1] =	stream.indirect_vreg.gather [hbm4b:s10+s2], $0x80, v3, vm0, $0xb8;
	[tilespmem:$0x10080] =	vst v63  }
0xba: {  	_ =	swait.ge [sflag:s26], $0x10000  }
0xbb: {  	s28 =	simm.s32 $0x4000;
	[sflag:s26] =	ssyncset.done $0x0  }
0xbc: {  	s31 =	simm.s32 $0x4D000;
	s30 =	rddreg [dreg:$0x7];
	[sflag:s26] =	ssyncadd.s32 $0xFFFF0000  }
0xbd: {  	[hbm4b:s30+s28] =	stream.strided.scatter [tilespmem:s1], [sflag:$0x2], $0x10000, s31, s28, $0x38;
	[tilespmem:$0x10080] =	vst v63  }
0xbe: {  	_ =	swait.ge [sflag:s12], $0x10000  }
0xbf: {  	[sflag:s12] =	ssyncset.done $0x0  }
0xc0: {  	s28 =	rddreg [dreg:$0x8];
	[sflag:s12] =	ssyncadd.s32 $0xFFFF0000  }
0xc1: {  	[tilespmem:s2], [sflag:$0x2] =	stream.linear.gather [hbm4b:s28+s2], $0x20, $0x38;
	[tilespmem:$0x10080] =	vst v63  }
0xc2: {  	_ =	swait.ge [sflag:s12], $0x20  }
0xc3: {  	[sflag:s12] =	ssyncset.done $0x0  }
0xc4: {  	[sflag:s12] =	ssyncadd.s32 $0xFFFFFFE0  }
0xc5: {  	v3 =	vld [tilespmem:$0x0];
	_ =	sdelay $0x4  }
0xc6: {  	v60 =	vshll.u32 v3, $0x4  }
0xc7: {  	v3 =	vand.u32 $0x7, v3;
	v4 =	vand.u32 $0xFFFFFF80, v60  }
0xc8: {  	v3 =	vor.u32 v3, v4  }
0xc9: {  	v4 =	vperm.xlane v3, v0;
	_ =	sdelay $0x1  }
0xca: {  	v4 =	vadd.s32 v1, v4;
	_ =	sdelay $0x4  }
0xcb: {  	[tilespmem:s1], [sflag:$0x1] =	stream.indirect_vreg.gather [hbm4b:s3+s2], $0x80, v4, vm0, $0xb8;
	[tilespmem:$0x10080] =	vst v63  }
0xcc: {  	s31 =	simm.s32 $0x880  }
0xcd: {  	[tilespmem:s31], [sflag:$0x1] =	stream.indirect_vreg.gather [hbm4b:s4+s2], $0x80, v4, vm0, $0xb8;
	[tilespmem:$0x10080] =	vst v63  }
0xce: {  	_ = 	snop  }
0xcf: {  	[tilespmem:s0], [sflag:$0x1] =	stream.indirect_vreg.gather [hbm4b:s5+s2], $0x80, v4, vm0, $0xb8;
	[tilespmem:$0x10080] =	vst v63  }
0xd0: {  	s28 =	simm.s32 $0x1880  }
0xd1: {  	[tilespmem:s28], [sflag:$0x1] =	stream.indirect_vreg.gather [hbm4b:s6+s2], $0x80, v4, vm0, $0xb8;
	[tilespmem:$0x10080] =	vst v63  }
0xd2: {  	s30 =	simm.s32 $0x2080  }
0xd3: {  	[tilespmem:s30], [sflag:$0x1] =	stream.indirect_vreg.gather [hbm4b:s7+s2], $0x80, v4, vm0, $0xb8;
	[tilespmem:$0x10080] =	vst v63  }
0xd4: {  	v3 =	vperm.xlane v3, v2  }
0xd5: {  	[tilespmem:s25], [sflag:$0x1] =	stream.indirect_vreg.gather [hbm4b:s8+s2], $0x80, v4, vm0, $0xb8;
	[tilespmem:$0x10080] =	vst v63  }
0xd6: {  	v3 =	vadd.s32 v1, v3;
	s31 =	simm.s32 $0x3080  }
0xd7: {  	[tilespmem:s31], [sflag:$0x1] =	stream.indirect_vreg.gather [hbm4b:s9+s2], $0x80, v4, vm0, $0xb8;
	[tilespmem:$0x10080] =	vst v63  }
0xd8: {  	s0 =	simm.s32 $0x3880  }
0xd9: {  	[tilespmem:s0], [sflag:$0x1] =	stream.indirect_vreg.gather [hbm4b:s10+s2], $0x80, v4, vm0, $0xb8;
	[tilespmem:$0x10080] =	vst v63  }
0xda: {  	s28 =	simm.s32 $0x4080  }
0xdb: {  	[tilespmem:s28], [sflag:$0x1] =	stream.indirect_vreg.gather [hbm4b:s3+s2], $0x80, v3, vm0, $0xb8;
	[tilespmem:$0x10080] =	vst v63  }
0xdc: {  	s31 =	simm.s32 $0x4880  }
0xdd: {  	[tilespmem:s31], [sflag:$0x1] =	stream.indirect_vreg.gather [hbm4b:s4+s2], $0x80, v3, vm0, $0xb8;
	[tilespmem:$0x10080] =	vst v63  }
0xde: {  	s0 =	simm.s32 $0x5080  }
0xdf: {  	[tilespmem:s0], [sflag:$0x1] =	stream.indirect_vreg.gather [hbm4b:s5+s2], $0x80, v3, vm0, $0xb8;
	[tilespmem:$0x10080] =	vst v63  }
0xe0: {  	s28 =	simm.s32 $0x5880  }
0xe1: {  	[tilespmem:s28], [sflag:$0x1] =	stream.indirect_vreg.gather [hbm4b:s6+s2], $0x80, v3, vm0, $0xb8;
	[tilespmem:$0x10080] =	vst v63  }
0xe2: {  	s31 =	simm.s32 $0x6080  }
0xe3: {  	[tilespmem:s31], [sflag:$0x1] =	stream.indirect_vreg.gather [hbm4b:s7+s2], $0x80, v3, vm0, $0xb8;
	[tilespmem:$0x10080] =	vst v63  }
0xe4: {  	s0 =	simm.s32 $0x6880  }
0xe5: {  	[tilespmem:s0], [sflag:$0x1] =	stream.indirect_vreg.gather [hbm4b:s8+s2], $0x80, v3, vm0, $0xb8;
	[tilespmem:$0x10080] =	vst v63  }
0xe6: {  	s28 =	simm.s32 $0x7080  }
0xe7: {  	[tilespmem:s28], [sflag:$0x1] =	stream.indirect_vreg.gather [hbm4b:s9+s2], $0x80, v3, vm0, $0xb8;
	[tilespmem:$0x10080] =	vst v63  }
0xe8: {  	s31 =	simm.s32 $0x7880  }
0xe9: {  	[tilespmem:s31], [sflag:$0x1] =	stream.indirect_vreg.gather [hbm4b:s10+s2], $0x80, v3, vm0, $0xb8;
	[tilespmem:$0x10080] =	vst v63  }
0xea: {  	v3 =	vld [tilespmem:$0x10];
	_ =	sdelay $0x4  }
0xeb: {  	v61 =	vshll.u32 v3, $0x4  }
0xec: {  	v3 =	vand.u32 $0x7, v3;
	v4 =	vand.u32 $0xFFFFFF80, v61  }
0xed: {  	v3 =	vor.u32 v3, v4  }
0xee: {  	v4 =	vperm.xlane v3, v0;
	_ =	sdelay $0x1  }
0xef: {  	v4 =	vadd.s32 v1, v4;
	_ =	sdelay $0x3  }
0xf0: {  	s28 =	simm.s32 $0x8080  }
0xf1: {  	[tilespmem:s28], [sflag:$0x1] =	stream.indirect_vreg.gather [hbm4b:s3+s2], $0x80, v4, vm0, $0xb8;
	[tilespmem:$0x10080] =	vst v63  }
0xf2: {  	_ = 	snop  }
0xf3: {  	[tilespmem:s29], [sflag:$0x1] =	stream.indirect_vreg.gather [hbm4b:s4+s2], $0x80, v4, vm0, $0xb8;
	[tilespmem:$0x10080] =	vst v63  }
0xf4: {  	s31 =	simm.s32 $0x9080  }
0xf5: {  	[tilespmem:s31], [sflag:$0x1] =	stream.indirect_vreg.gather [hbm4b:s5+s2], $0x80, v4, vm0, $0xb8;
	[tilespmem:$0x10080] =	vst v63  }
0xf6: {  	_ = 	snop  }
0xf7: {  	[tilespmem:s13], [sflag:$0x1] =	stream.indirect_vreg.gather [hbm4b:s6+s2], $0x80, v4, vm0, $0xb8;
	[tilespmem:$0x10080] =	vst v63  }
0xf8: {  	s28 =	simm.s32 $0xA080  }
0xf9: {  	[tilespmem:s28], [sflag:$0x1] =	stream.indirect_vreg.gather [hbm4b:s7+s2], $0x80, v4, vm0, $0xb8;
	[tilespmem:$0x10080] =	vst v63  }
0xfa: {  	v3 =	vperm.xlane v3, v2  }
0xfb: {  	[tilespmem:s23], [sflag:$0x1] =	stream.indirect_vreg.gather [hbm4b:s8+s2], $0x80, v4, vm0, $0xb8;
	[tilespmem:$0x10080] =	vst v63  }
0xfc: {  	v3 =	vadd.s32 v1, v3  }
0xfd: {  	[tilespmem:s14], [sflag:$0x1] =	stream.indirect_vreg.gather [hbm4b:s9+s2], $0x80, v4, vm0, $0xb8;
	[tilespmem:$0x10080] =	vst v63  }
0xfe: {  	_ = 	snop  }
0xff: {  	[tilespmem:s15], [sflag:$0x1] =	stream.indirect_vreg.gather [hbm4b:s10+s2], $0x80, v4, vm0, $0xb8;
	[tilespmem:$0x10080] =	vst v63  }
0x100: {  	_ = 	snop  }
0x101: {  	[tilespmem:s16], [sflag:$0x1] =	stream.indirect_vreg.gather [hbm4b:s3+s2], $0x80, v3, vm0, $0xb8;
	[tilespmem:$0x10080] =	vst v63  }
0x102: {  	_ = 	snop  }
0x103: {  	[tilespmem:s17], [sflag:$0x1] =	stream.indirect_vreg.gather [hbm4b:s4+s2], $0x80, v3, vm0, $0xb8;
	[tilespmem:$0x10080] =	vst v63  }
0x104: {  	_ = 	snop  }
0x105: {  	[tilespmem:s18], [sflag:$0x1] =	stream.indirect_vreg.gather [hbm4b:s5+s2], $0x80, v3, vm0, $0xb8;
	[tilespmem:$0x10080] =	vst v63  }
0x106: {  	_ = 	snop  }
0x107: {  	[tilespmem:s19], [sflag:$0x1] =	stream.indirect_vreg.gather [hbm4b:s6+s2], $0x80, v3, vm0, $0xb8;
	[tilespmem:$0x10080] =	vst v63  }
0x108: {  	_ = 	snop  }
0x109: {  	[tilespmem:s20], [sflag:$0x1] =	stream.indirect_vreg.gather [hbm4b:s7+s2], $0x80, v3, vm0, $0xb8;
	[tilespmem:$0x10080] =	vst v63  }
0x10a: {  	_ = 	snop  }
0x10b: {  	[tilespmem:s21], [sflag:$0x1] =	stream.indirect_vreg.gather [hbm4b:s8+s2], $0x80, v3, vm0, $0xb8;
	[tilespmem:$0x10080] =	vst v63  }
0x10c: {  	_ = 	snop  }
0x10d: {  	[tilespmem:s22], [sflag:$0x1] =	stream.indirect_vreg.gather [hbm4b:s9+s2], $0x80, v3, vm0, $0xb8;
	[tilespmem:$0x10080] =	vst v63  }
0x10e: {  	_ = 	snop  }
0x10f: {  	[tilespmem:s24], [sflag:$0x1] =	stream.indirect_vreg.gather [hbm4b:s10+s2], $0x80, v3, vm0, $0xb8;
	[tilespmem:$0x10080] =	vst v63  }
0x110: {  	_ =	swait.ge [sflag:s26], $0x10000  }
0x111: {  	s0 =	simm.s32 $0x4000;
	[sflag:s26] =	ssyncset.done $0x0  }
0x112: {  	s28 =	simm.s32 $0x4D000;
	s30 =	rddreg [dreg:$0x9];
	[sflag:s26] =	ssyncadd.s32 $0xFFFF0000  }
0x113: {  	[hbm4b:s30+s0] =	stream.strided.scatter [tilespmem:s1], [sflag:$0x2], $0x10000, s28, s0, $0x38;
	[tilespmem:$0x10080] =	vst v63  }
0x114: {  	_ =	swait.ge [sflag:s12], $0x10000  }
0x115: {  	[sflag:s12] =	ssyncset.done $0x0  }
0x116: {  	s30 =	rddreg [dreg:$0xa];
	[sflag:s12] =	ssyncadd.s32 $0xFFFF0000  }
0x117: {  	[tilespmem:s2], [sflag:$0x2] =	stream.linear.gather [hbm4b:s30+s2], $0x20, $0x38;
	[tilespmem:$0x10080] =	vst v63  }
0x118: {  	_ =	swait.ge [sflag:s12], $0x20  }
0x119: {  	[sflag:s12] =	ssyncset.done $0x0  }
0x11a: {  	[sflag:s12] =	ssyncadd.s32 $0xFFFFFFE0  }
0x11b: {  	v3 =	vld [tilespmem:$0x0];
	_ =	sdelay $0x4  }
0x11c: {  	v62 =	vshll.u32 v3, $0x4  }
0x11d: {  	v3 =	vand.u32 $0x7, v3;
	v4 =	vand.u32 $0xFFFFFF80, v62  }
0x11e: {  	v3 =	vor.u32 v3, v4  }
0x11f: {  	v4 =	vperm.xlane v3, v0;
	_ =	sdelay $0x1  }
0x120: {  	v4 =	vadd.s32 v1, v4;
	_ =	sdelay $0x4  }
0x121: {  	[tilespmem:s1], [sflag:$0x1] =	stream.indirect_vreg.gather [hbm4b:s3+s2], $0x80, v4, vm0, $0xb8;
	[tilespmem:$0x10080] =	vst v63  }
0x122: {  	s30 =	simm.s32 $0x880  }
0x123: {  	[tilespmem:s30], [sflag:$0x1] =	stream.indirect_vreg.gather [hbm4b:s4+s2], $0x80, v4, vm0, $0xb8;
	[tilespmem:$0x10080] =	vst v63  }
0x124: {  	s30 =	simm.s32 $0x1080  }
0x125: {  	[tilespmem:s30], [sflag:$0x1] =	stream.indirect_vreg.gather [hbm4b:s5+s2], $0x80, v4, vm0, $0xb8;
	[tilespmem:$0x10080] =	vst v63  }
0x126: {  	s30 =	simm.s32 $0x1880  }
0x127: {  	[tilespmem:s30], [sflag:$0x1] =	stream.indirect_vreg.gather [hbm4b:s6+s2], $0x80, v4, vm0, $0xb8;
	[tilespmem:$0x10080] =	vst v63  }
0x128: {  	s30 =	simm.s32 $0x2080  }
0x129: {  	[tilespmem:s30], [sflag:$0x1] =	stream.indirect_vreg.gather [hbm4b:s7+s2], $0x80, v4, vm0, $0xb8;
	[tilespmem:$0x10080] =	vst v63  }
0x12a: {  	s25 =	simm.s32 $0x2880;
	v3 =	vperm.xlane v3, v2  }
0x12b: {  	[tilespmem:s25], [sflag:$0x1] =	stream.indirect_vreg.gather [hbm4b:s8+s2], $0x80, v4, vm0, $0xb8;
	[tilespmem:$0x10080] =	vst v63  }
0x12c: {  	v3 =	vadd.s32 v1, v3;
	s30 =	simm.s32 $0x3080  }
0x12d: {  	[tilespmem:s30], [sflag:$0x1] =	stream.indirect_vreg.gather [hbm4b:s9+s2], $0x80, v4, vm0, $0xb8;
	[tilespmem:$0x10080] =	vst v63  }
0x12e: {  	s30 =	simm.s32 $0x3880  }
0x12f: {  	[tilespmem:s30], [sflag:$0x1] =	stream.indirect_vreg.gather [hbm4b:s10+s2], $0x80, v4, vm0, $0xb8;
	[tilespmem:$0x10080] =	vst v63  }
0x130: {  	s30 =	simm.s32 $0x4080  }
0x131: {  	[tilespmem:s30], [sflag:$0x1] =	stream.indirect_vreg.gather [hbm4b:s3+s2], $0x80, v3, vm0, $0xb8;
	[tilespmem:$0x10080] =	vst v63  }
0x132: {  	s30 =	simm.s32 $0x4880  }
0x133: {  	[tilespmem:s30], [sflag:$0x1] =	stream.indirect_vreg.gather [hbm4b:s4+s2], $0x80, v3, vm0, $0xb8;
	[tilespmem:$0x10080] =	vst v63  }
0x134: {  	s30 =	simm.s32 $0x5080  }
0x135: {  	[tilespmem:s30], [sflag:$0x1] =	stream.indirect_vreg.gather [hbm4b:s5+s2], $0x80, v3, vm0, $0xb8;
	[tilespmem:$0x10080] =	vst v63  }
0x136: {  	s30 =	simm.s32 $0x5880  }
0x137: {  	[tilespmem:s30], [sflag:$0x1] =	stream.indirect_vreg.gather [hbm4b:s6+s2], $0x80, v3, vm0, $0xb8;
	[tilespmem:$0x10080] =	vst v63  }
0x138: {  	s30 =	simm.s32 $0x6080  }
0x139: {  	[tilespmem:s30], [sflag:$0x1] =	stream.indirect_vreg.gather [hbm4b:s7+s2], $0x80, v3, vm0, $0xb8;
	[tilespmem:$0x10080] =	vst v63  }
0x13a: {  	s30 =	simm.s32 $0x6880  }
0x13b: {  	[tilespmem:s30], [sflag:$0x1] =	stream.indirect_vreg.gather [hbm4b:s8+s2], $0x80, v3, vm0, $0xb8;
	[tilespmem:$0x10080] =	vst v63  }
0x13c: {  	s30 =	simm.s32 $0x7080  }
0x13d: {  	[tilespmem:s30], [sflag:$0x1] =	stream.indirect_vreg.gather [hbm4b:s9+s2], $0x80, v3, vm0, $0xb8;
	[tilespmem:$0x10080] =	vst v63  }
0x13e: {  	s30 =	simm.s32 $0x7880  }
0x13f: {  	[tilespmem:s30], [sflag:$0x1] =	stream.indirect_vreg.gather [hbm4b:s10+s2], $0x80, v3, vm0, $0xb8;
	[tilespmem:$0x10080] =	vst v63  }
0x140: {  	v3 =	vld [tilespmem:$0x10];
	_ =	sdelay $0x4  }
0x141: {  	v63 =	vshll.u32 v3, $0x4  }
0x142: {  	v3 =	vand.u32 $0x7, v3;
	v4 =	vand.u32 $0xFFFFFF80, v63  }
0x143: {  	v3 =	vor.u32 v3, v4  }
0x144: {  	v4 =	vperm.xlane v3, v0;
	_ =	sdelay $0x1  }
0x145: {  	v4 =	vadd.s32 v1, v4;
	_ =	sdelay $0x3  }
0x146: {  	s30 =	simm.s32 $0x8080  }
0x147: {  	[tilespmem:s30], [sflag:$0x1] =	stream.indirect_vreg.gather [hbm4b:s3+s2], $0x80, v4, vm0, $0xb8;
	[tilespmem:$0x10080] =	vst v63  }
0x148: {  	s29 =	simm.s32 $0x8880  }
0x149: {  	[tilespmem:s29], [sflag:$0x1] =	stream.indirect_vreg.gather [hbm4b:s4+s2], $0x80, v4, vm0, $0xb8;
	[tilespmem:$0x10080] =	vst v63  }
0x14a: {  	s31 =	simm.s32 $0x9080  }
0x14b: {  	[tilespmem:s31], [sflag:$0x1] =	stream.indirect_vreg.gather [hbm4b:s5+s2], $0x80, v4, vm0, $0xb8;
	[tilespmem:$0x10080] =	vst v63  }
0x14c: {  	s13 =	simm.s32 $0x9880  }
0x14d: {  	[tilespmem:s13], [sflag:$0x1] =	stream.indirect_vreg.gather [hbm4b:s6+s2], $0x80, v4, vm0, $0xb8;
	[tilespmem:$0x10080] =	vst v63  }
0x14e: {  	s30 =	simm.s32 $0xA080  }
0x14f: {  	[tilespmem:s30], [sflag:$0x1] =	stream.indirect_vreg.gather [hbm4b:s7+s2], $0x80, v4, vm0, $0xb8;
	[tilespmem:$0x10080] =	vst v63  }
0x150: {  	s23 =	simm.s32 $0xA880;
	v3 =	vperm.xlane v3, v2  }
0x151: {  	[tilespmem:s23], [sflag:$0x1] =	stream.indirect_vreg.gather [hbm4b:s8+s2], $0x80, v4, vm0, $0xb8;
	[tilespmem:$0x10080] =	vst v63  }
0x152: {  	s14 =	simm.s32 $0xB080;
	v3 =	vadd.s32 v1, v3  }
0x153: {  	[tilespmem:s14], [sflag:$0x1] =	stream.indirect_vreg.gather [hbm4b:s9+s2], $0x80, v4, vm0, $0xb8;
	[tilespmem:$0x10080] =	vst v63  }
0x154: {  	s15 =	simm.s32 $0xB880  }
0x155: {  	[tilespmem:s15], [sflag:$0x1] =	stream.indirect_vreg.gather [hbm4b:s10+s2], $0x80, v4, vm0, $0xb8;
	[tilespmem:$0x10080] =	vst v63  }
0x156: {  	s16 =	simm.s32 $0xC080  }
0x157: {  	[tilespmem:s16], [sflag:$0x1] =	stream.indirect_vreg.gather [hbm4b:s3+s2], $0x80, v3, vm0, $0xb8;
	[tilespmem:$0x10080] =	vst v63  }
0x158: {  	s17 =	simm.s32 $0xC880  }
0x159: {  	[tilespmem:s17], [sflag:$0x1] =	stream.indirect_vreg.gather [hbm4b:s4+s2], $0x80, v3, vm0, $0xb8;
	[tilespmem:$0x10080] =	vst v63  }
0x15a: {  	s18 =	simm.s32 $0xD080  }
0x15b: {  	[tilespmem:s18], [sflag:$0x1] =	stream.indirect_vreg.gather [hbm4b:s5+s2], $0x80, v3, vm0, $0xb8;
	[tilespmem:$0x10080] =	vst v63  }
0x15c: {  	s19 =	simm.s32 $0xD880  }
0x15d: {  	[tilespmem:s19], [sflag:$0x1] =	stream.indirect_vreg.gather [hbm4b:s6+s2], $0x80, v3, vm0, $0xb8;
	[tilespmem:$0x10080] =	vst v63  }
0x15e: {  	s20 =	simm.s32 $0xE080  }
0x15f: {  	[tilespmem:s20], [sflag:$0x1] =	stream.indirect_vreg.gather [hbm4b:s7+s2], $0x80, v3, vm0, $0xb8;
	[tilespmem:$0x10080] =	vst v63  }
0x160: {  	s21 =	simm.s32 $0xE880  }
0x161: {  	[tilespmem:s21], [sflag:$0x1] =	stream.indirect_vreg.gather [hbm4b:s8+s2], $0x80, v3, vm0, $0xb8;
	[tilespmem:$0x10080] =	vst v63  }
0x162: {  	s22 =	simm.s32 $0xF080  }
0x163: {  	[tilespmem:s22], [sflag:$0x1] =	stream.indirect_vreg.gather [hbm4b:s9+s2], $0x80, v3, vm0, $0xb8;
	[tilespmem:$0x10080] =	vst v63  }
0x164: {  	s24 =	simm.s32 $0xF880  }
0x165: {  	[tilespmem:s24], [sflag:$0x1] =	stream.indirect_vreg.gather [hbm4b:s10+s2], $0x80, v3, vm0, $0xb8;
	[tilespmem:$0x10080] =	vst v63  }
0x166: {  	_ =	swait.ge [sflag:s26], $0x10000  }
0x167: {  	p0 =	sne.s32 s11, $0x1;
	s0 =	simm.s32 $0x4000;
	[sflag:s26] =	ssyncset.done $0x0  }
.Ltmp0:
0x168: {  	s31 =	rddreg [dreg:$0xb];
	[sflag:s26] =	ssyncadd.s32 $0xFFFF0000;
	(pc) =	sbr.rel @p0 .LBB2_1-.Ltmp0, $4  }
0x169: {  	[hbm4b:s31+s0] =	stream.strided.scatter [tilespmem:s1], [sflag:$0x2], $0x10000, s28, s0, $0x38;
	[tilespmem:$0x10080] =	vst v63  }
0x16a: {  	_ =	swait.ge [sflag:s12], $0x10000  }
0x16b: {  	[sflag:s12] =	ssyncset.done $0x0  }
0x16c: {  	s11 =	sadd.s32 $0xFFFFFFFF, s11;
	[sflag:s12] =	ssyncadd.s32 $0xFFFF0000  }
0x16d: {  	_ =	sfence.sel $0x180000  }
0x16e: {  	[bflag:$0x0] =	sbarrier.arrive $0xFFFF  }
0x16f: {  	_ =	strace $0x9000004A  }
0x170: {  	s0 =	stileid.u32;
	[bflag:$0x2] =	sbarrier.arrive $0xFFFF  }
0x171: {  	p0 =	sne.s32 s0, $0x0;
	s0 =	rddreg [dreg:$0x3]  }
0x172: {  	s0 =	sadd.s32 @!p0 $0x100000, s0  }
0x173: {  	[sflag:s0] =	ssyncadd.tile.s32 @!p0 $0x1;
	_ =	shalt  }
.Lfunc_end2:
_tile_overlayer_lowered:
.L_overlay_start_2:
0x174: {  	(tag) =	ssettag $0x2  }
0x175: {  	s0 =	rddreg [dreg:$0x0];
	s2 =	stileid.u32  }
0x176: {  	s1 =	rddreg [dreg:$0x1];
	p0 =	sne.s32 s2, $0x0  }
0x177: {  	s3 =	rddreg [dreg:$0x2];
	[bflag:$0x3] =	sbarrier.arrive $0xFFFF;
	s2 =	simm.s32 @!p0 $0x1C02  }
0x178: {  	[timem:s3], [sflag:s2] =	dma.local @!p0 [hbm:s0], s1  }
0x179: {  	s0 =	simm.s32 @!p0 $0x2  }
0x17a: {  	_ =	swait.ge @!p0 [sflag:s0], s1  }
0x17b: {  	s1 =	ssub.s32 @!p0 $0x0, s1;
	[sflag:s0] =	ssyncset.done @!p0 $0x0  }
0x17c: {  	[sflag:s0] =	ssyncadd.s32 @!p0 s1  }
0x17d: {  	[bflag:$0x3] =	sbarrier.arrive $0xFFFF  }
0x17e: {  	_ =	shalt  }

// kernel: sparse-core-data-format-call.1.cloned.1.call-start
scs
called_computation.1_lowered:
.L_overlay_start_0:
0x0: {  	s2 =	sld [smem:$0x3FD9]  }
0x1: {  	s3 =	sld [smem:$0x3FFE];
	_ =	sdelay $0x1  }
0x2: {  	s1 =	srdreg.scid  }
0x3: {  	s0 =	sand.u32 $0x1, s1  }
0x4: {  	s18 =	sshll.u32 s0, $0xA;
	s2 =	sadd.s32 s3, s2  }
0x5: {  	s2 =	sadd.s32 s2, s18  }
0x6: {  	[smem:$0x3FC4] =	sst s2  }
0x7: {  	_ = 	snop  }
0x8: {  	s2 =	sld [smem:$0x3FC8];
	(tm) =	ssettm $0x1  }
0x9: {  	s19 =	sld [smem:$0x3FFB];
	_ =	sdelay $0x3  }
0xa: {  	_ =	strace s19  }
0xb: {  	s3 =	sld [smem:$0x3FFC];
	_ =	sdelay $0x3  }
0xc: {  	_ =	strace s3  }
0xd: {  	s3 =	sld [smem:$0x3FFD];
	_ =	sdelay $0x3  }
0xe: {  	_ =	strace s3  }
0xf: {  	_ =	strace $0x8FFFFFFF  }
0x10: {  	s20 =	sld [smem:$0x3FDB];
	_ =	sdelay $0x1  }
0x11: {  	s4 =	simm.s32 $_scs_section_size  }
0x12: {  	s5 =	simm.s32 $_size__tile_overlayer_lowered;
	s6 =	simm.s32 $_tile_overlayer_lowered  }
0x13: {  	s23 =	simm.s32 $0x1BFF;
	s22 =	sshll.u32 s6, $0x1;
	s3 =	sadd.s32 s4, s20  }
0x14: {  	s7 =	simm.s32 $0x0;
	s21 =	sshll.u32 s5, $0x1;
	s5 =	sadd.s32 s22, s3  }
0x15: {  	[timem:s7], [sflag:s23] =	dma.local [hbm:s5], s21  }
0x16: {  	_ =	swait.ge [sflag:s23], s21  }
0x17: {  	s4 =	ssub.s32 $0x0, s21;
	[sflag:s23] =	ssyncset.done $0x0  }
0x18: {  	[sflag:s23] =	ssyncadd.s32 s4;
	_ =	sdelay $0x1  }
0x19: {  	s24 =	simm.s32 $0x1B8B  }
0x1a: {  	_ =	swait.ge [sflag:s24], $0x1  }
0x1b: {  	[sflag:s24] =	ssyncset.done $0x0  }
0x1c: {  	s26 =	simm.s32 $0x1B8E;
	s25 =	sld [smem:$0x3FFE];
	[sflag:s24] =	ssyncadd.s32 $0xFFFFFFFF  }
0x1d: {  	s27 =	simm.s32 $execute0_lowered;
	[smem:$0x3FD2] =	sst s26  }
0x1e: {  	s5 =	sshll.u32 s27, $0x1;
	_ =	strace $0x80000046;
	[dreg:$0x1] =	wrdreg $0xFFFFFFFF  }
0x1f: {  	s28 =	simm.s32 $_size_execute0_lowered;
	s3 =	sadd.s32 s3, s5;
	[dreg:$0x0] =	wrdreg $0x0  }
0x20: {  	s5 =	sshll.u32 s28, $0x1;
	[dreg:$0x2] =	wrdreg s3  }
0x21: {  	[dreg:$0x3] =	wrdreg s5  }
0x22: {  	[dreg:$0x4] =	wrdreg $0xC0  }
0x23: {  	_ =	task [dreg:s7], $0x5FFFF  }
0x24: {  	[dreg:$0x1] =	wrdreg $0xFFFFFFFF  }
0x25: {  	[dreg:$0x0] =	wrdreg $0x60  }
0x26: {  	[dreg:$0x2] =	wrdreg s2  }
0x27: {  	[dreg:$0x3] =	wrdreg s25  }
0x28: {  	[dreg:$0x4] =	wrdreg $0x9  }
0x29: {  	_ =	task.clear_ibuf [dreg:s7], $0x5FFFF;
	_ =	strace $0x90000046  }
0x2a: {  	s29 =	simm.s32 $0x9;
	_ =	strace $0x80000048  }
0x2b: {  	_ =	swait.ge [sflag:s29], $0x1  }
0x2c: {  	[sflag:s29] =	ssyncadd.s32 $0xFFFFFFFF  }
0x2d: {  	_ =	strace $0x90000048  }
0x2e: {  	_ =	sfence  }
0x2f: {  	s30 =	sld [smem:$0x0];
	_ =	sdelay $0x2  }
0x30: {  	s31 =	sshll.u32 s1, $0xD;
	s1 =	sshrl.u32 s1, $0x2  }
0x31: {  	s3 =	sand.u32 $0x4000, s31;
	s1 =	sadd.s32 s1, s30  }
0x32: {  	s0 =	sor.u32 s3, s0;
	s1 =	sshll.u32 s1, $0x11  }
0x33: {  	s0 =	sor.u32 s1, s0  }
0x34: {  	s0 =	sadd.s32 $0x8F2B, s0  }
0x35: {  	[sflag:s0] =	ssyncadd.remote.s32 $0x1  }
0x36: {  	_ =	sfence.sel $0xFFFF  }
0x37: {  	[dreg:$0x0] =	wrdreg $0xFFFFFFFF;
	(pc) =	sbr.abs _section_cstart, $3  }
0x38: {  	[dreg:$0x1] =	wrdreg $0xFFFFFFFF  }
0x39: {  	_ =	task.clear_ibuf [dreg:s7], $0x2FFFF;
	_ =	strace $0x9FFFFFFF  }
0x3a: {  	(tm) =	ssettm $0x7FFFFFFF  }
0x3b: {  	_ =	shalt  }
tec
execute0_lowered:
.L_overlay_start_1:
0x0: {  	(tag) =	ssettag $0x1  }
0x1: {  	s2 =	rddreg [dreg:$0x0];
	s0 =	srdreg.scid  }
0x2: {  	s4 =	rddreg [dreg:$0x1];
	s1 =	stileid.u32;
	s5 =	simm.s32 $0x1  }
0x3: {  	s7 =	simm.s32 $0x2;
	s8 =	simm.s32 $0x0;
	s3 =	sshll.u32 s0, $0x4  }
.Ltmp0:
0x4: {  	s9 =	simm.s32 $0x0;
	s3 =	sand.u32 $0x10, s3;
	(pc) =	sbr.rel .LBB1_1-.Ltmp0, $4  }
0x5: {  	s12 =	simm.s32 $0x0;
	s11 =	simm.s32 $0x0;
	s3 =	sor.u32 s1, s3  }
0x6: {  	s0 =	rddreg [dreg:$0x2];
	_ =	strace $0x80000047;
	s6 =	ssub.s32 $0x30F3, s3  }
0x7: {  	s4 =	sadd.s32 $0x1000, s4;
	[sflag:s5] =	ssyncpa.u1 $0x0;
	s6 =	sshrl.u32 s6, $0x5  }
0x8: {  	[sflag:s7] =	ssyncpa.u1 $0x0;
	s10 =	smov.u32 s3;
	s7 =	sadd.s32 $0x1, s6  }
.LBB1_7:
0x9: {  	s14 =	sadd.s32 $0x20, s10  }
0xa: {  	p1 =	sgt.s32 s14, $0x30D3  }
0xb: {  	s14 =	smov.u32 @p1 s3;
	p1 =	sne.s32 s11, s7  }
.Ltmp1:
0xc: {  	p0 =	slt.u32 s11, $0x2;
	(pc) =	sbr.rel @!p1 .LBB1_8-.Ltmp1, $4  }
0xd: {  	s13 =	simm.s32 @!p0 $0x2  }
0xe: {  	s15 =	sadd.s32 $0x1, s11;
	_ =	swait.ge @!p0 [sflag:s13], $0x4000  }
0xf: {  	s12 =	smov.u32 s10;
	s9 =	sadd.s32 $0x4000, s9;
	[sflag:s13] =	ssyncset.done @!p0 $0x0  }
0x10: {  	s11 =	smov.u32 s15;
	s10 =	smov.u32 s14;
	[sflag:s13] =	ssyncadd.s32 @!p0 $0xFFFFC000  }
.LBB1_1:
0x11: {  	p0 =	sge.u32 s11, s6  }
0x12: {  	s13 =	sxor.u32 @!p0 $0xFFFFFFFF, s11  }
0x13: {  	s31 =	sadd.s32 $0xFFFFFFFF, s11;
	s14 =	sshll.u32 @!p0 s10, $0xB;
	s13 =	sshll.u32 @!p0 s13, $0xE  }
0x14: {  	s15 =	simm.s32 @!p0 $0x0;
	s14 =	sadd.s32 @!p0 s2, s14;
	s13 =	sand.u32 @!p0 $0x4000, s13  }
0x15: {  	[tilespmem:s13], [sflag:$0x1] =	stream.linear.gather @!p0 [hbm4b:s14+s15], $0x4000, $0x38;
	[tilespmem:$0x10000] =	vst v63  }
0x16: {  	p0 =	sge.u32 s31, s6  }
.Ltmp2:
0x17: {  	_ = 	snop;
	(pc) =	sbr.rel @p0 .LBB1_7-.Ltmp2, $1  }
0x18: {  	_ =	sdelay $0x3  }
0x19: {  	s13 =	sshll.u32 s9, $0x2;
	_ =	swait.ge [sflag:s5], $0x4000;
	s15 =	sshll.u32 s11, $0xE  }
0x1a: {  	s17 =	simm.s32 $0x0;
	s18 =	simm.s32 $0x0;
	s19 =	simm.s32 $0x0  }
0x1b: {  	s13 =	sand.u32 $0x10000, s13;
	[sflag:s5] =	ssyncset.done $0x0;
	s15 =	sand.u32 $0x4000, s15  }
0x1c: {  	s16 =	sshrl.u32 s13, $0x2;
	[sflag:s5] =	ssyncadd.s32 $0xFFFFC000;
	s15 =	sor.u32 $0x8000, s15  }
0x1d: {  	s13 =	sor.u32 $0x400, s16;
	s14 =	sor.u32 $0x8000, s16;
	s16 =	sadd.s32 $0x8C00, s16  }
.LBB1_3:
0x1e: {  	v0 =	vmov s14;
	v1 =	vld [tilespmem:s13+$0x270]  }
0x1f: {  	v2 =	vld [tilespmem:s13+$0xFFFFFC10]  }
0x20: {  	v3 =	vld [tilespmem:s13+$0xFFFFFC20]  }
0x21: {  	s20 =	sshll.u32 s18, $0x2;
	s21 =	sand.u32 $0x3, s17;
	v4 =	vld [tilespmem:s13+$0xFFFFFC30]  }
0x22: {  	v5 =	vld [tilespmem:s13+$0xFFFFFC40];
	s22 =	sand.u32 $0xFFFFF800, s20;
	s21 =	sshll.u32 s21, $0x9;
	s20 =	simm.s32 $0x0  }
0x23: {  	v6 =	vld [tilespmem:s13+$0xFFFFFC50];
	s21 =	sor.u32 s21, s22;
	[tilespmem:v0+s20+$0xC70 ss:$0x1] =	vst.idx.msk $0xffff, v1  }
0x24: {  	v7 =	vld [tilespmem:s13+$0x220];
	s21 =	sshrl.u32 s21, $0x2;
	[tilespmem:v0+s20+$0x10 ss:$0x1] =	vst.idx.msk $0xffff, v2  }
0x25: {  	v8 =	vld [tilespmem:s13+$0x230];
	s21 =	sadd.s32 s21, s16;
	[tilespmem:v0+s20+$0x20 ss:$0x1] =	vst.idx.msk $0xffff, v3  }
0x26: {  	v1 =	vmov s21;
	[tilespmem:v0+s20+$0x30 ss:$0x1] =	vst.idx.msk $0xffff, v4;
	v4 =	vld [tilespmem:s13+$0xFFFFFE00]  }
0x27: {  	[tilespmem:v0+s20+$0x40 ss:$0x1] =	vst.idx.msk $0xffff, v5;
	v5 =	vld [tilespmem:s13+$0xFFFFFE10]  }
0x28: {  	[tilespmem:v0+s20+$0x50 ss:$0x1] =	vst.idx.msk $0xffff, v6;
	v6 =	vld [tilespmem:s13+$0xFFFFFE20]  }
0x29: {  	v2 =	vld [tilespmem:s13+$0xFFFFFC60];
	[tilespmem:v0+s20+$0xC20 ss:$0x1] =	vst.idx.msk $0xffff, v7  }
0x2a: {  	v3 =	vld [tilespmem:s13+$0xFFFFFC70];
	[tilespmem:v0+s20+$0xC30 ss:$0x1] =	vst.idx.msk $0xffff, v8  }
0x2b: {  	[tilespmem:v1+s20+$0xFFFFF800 ss:$0x1] =	vst.idx.msk $0xffff, v4;
	v4 =	vld [tilespmem:s13+$0xFFFFFE50]  }
0x2c: {  	[tilespmem:v0+s20+$0x410 ss:$0x1] =	vst.idx.msk $0xffff, v5;
	v5 =	vld [tilespmem:s13+$0xFFFFFE60]  }
0x2d: {  	[tilespmem:v0+s20+$0x420 ss:$0x1] =	vst.idx.msk $0xffff, v6;
	v6 =	vld [tilespmem:s13+$0xFFFFFE70]  }
0x2e: {  	[tilespmem:v0+s20+$0x60 ss:$0x1] =	vst.idx.msk $0xffff, v2;
	v2 =	vld [tilespmem:s13+$0xFFFFFE30]  }
0x2f: {  	[tilespmem:v0+s20+$0x70 ss:$0x1] =	vst.idx.msk $0xffff, v3;
	v3 =	vld [tilespmem:s13+$0xFFFFFE40]  }
0x30: {  	[tilespmem:v0+s20+$0x450 ss:$0x1] =	vst.idx.msk $0xffff, v4;
	v4 =	vld [tilespmem:s13+$0x20]  }
0x31: {  	[tilespmem:v0+s20+$0x460 ss:$0x1] =	vst.idx.msk $0xffff, v5;
	v5 =	vld [tilespmem:s13+$0x30]  }
0x32: {  	[tilespmem:v0+s20+$0x470 ss:$0x1] =	vst.idx.msk $0xffff, v6;
	v6 =	vld [tilespmem:s13+$0x40]  }
0x33: {  	[tilespmem:v0+s20+$0x430 ss:$0x1] =	vst.idx.msk $0xffff, v2;
	v2 =	vld [tilespmem:s13+$0x0]  }
0x34: {  	[tilespmem:v0+s20+$0x440 ss:$0x1] =	vst.idx.msk $0xffff, v3;
	v3 =	vld [tilespmem:s13+$0x10]  }
0x35: {  	[tilespmem:v0+s20+$0x820 ss:$0x1] =	vst.idx.msk $0xffff, v4;
	v4 =	vld [tilespmem:s13+$0x70]  }
0x36: {  	[tilespmem:v0+s20+$0x830 ss:$0x1] =	vst.idx.msk $0xffff, v5;
	v5 =	vld [tilespmem:s13+$0x200]  }
0x37: {  	[tilespmem:v0+s20+$0x840 ss:$0x1] =	vst.idx.msk $0xffff, v6;
	v6 =	vld [tilespmem:s13+$0x210]  }
0x38: {  	[tilespmem:v1+s20+$0xFFFFFC00 ss:$0x1] =	vst.idx.msk $0xffff, v2;
	v2 =	vld [tilespmem:s13+$0x50]  }
0x39: {  	[tilespmem:v0+s20+$0x810 ss:$0x1] =	vst.idx.msk $0xffff, v3;
	v3 =	vld [tilespmem:s13+$0x60]  }
0x3a: {  	[tilespmem:v0+s20+$0x870 ss:$0x1] =	vst.idx.msk $0xffff, v4;
	v4 =	vld [tilespmem:s13+$0x240]  }
0x3b: {  	[tilespmem:v1+s20+$0x0 ss:$0x1] =	vst.idx.msk $0xffff, v5;
	v5 =	vld [tilespmem:s13+$0x250]  }
0x3c: {  	[tilespmem:v0+s20+$0xC10 ss:$0x1] =	vst.idx.msk $0xffff, v6;
	v6 =	vld [tilespmem:s13+$0x260]  }
0x3d: {  	s21 =	sadd.s32 $0x80, s13;
	[tilespmem:v0+s20+$0x850 ss:$0x1] =	vst.idx.msk $0xffff, v2;
	v2 =	vld [tilespmem:s13+$0xFFFFFC00]  }
0x3e: {  	s23 =	simm.s32 $0x8000;
	s22 =	simm.s32 $0x4000;
	[tilespmem:v0+s20+$0x860 ss:$0x1] =	vst.idx.msk $0xffff, v3;
	v3 =	vld [tilespmem:s21+$0x270]  }
.LBB1_4:
0x3f: {  	p0 =	sne.s32 s23, $0xC000;
	v7 =	vld [tilespmem:s21+$0xFFFFFC10];
	[tilespmem:v0+s20+$0xC40 ss:$0x1] =	vst.idx.msk $0xffff, v4  }
0x40: {  	v4 =	vld [tilespmem:s21+$0xFFFFFC20];
	[tilespmem:v0+s20+$0xC50 ss:$0x1] =	vst.idx.msk $0xffff, v5  }
0x41: {  	v5 =	vld [tilespmem:s21+$0xFFFFFC30];
	[tilespmem:v0+s20+$0xC60 ss:$0x1] =	vst.idx.msk $0xffff, v6  }
0x42: {  	v6 =	vld [tilespmem:s21+$0xFFFFFC40];
	[tilespmem:v0+s20+$0x0 ss:$0x1] =	vst.idx.msk $0xffff, v2;
	s20 =	sshra.s32 s22, $0x2;
	s22 =	smov.u32 s23  }
0x43: {  	v2 =	vld [tilespmem:s21+$0xFFFFFC50];
	[tilespmem:v0+s20+$0xC70 ss:$0x1] =	vst.idx.msk $0xffff, v3  }
0x44: {  	[tilespmem:v0+s20+$0x10 ss:$0x1] =	vst.idx.msk $0xffff, v7;
	v3 =	vld [tilespmem:s21+$0xFFFFFC60]  }
0x45: {  	[tilespmem:v0+s20+$0x20 ss:$0x1] =	vst.idx.msk $0xffff, v4;
	v4 =	vld [tilespmem:s21+$0xFFFFFC70]  }
0x46: {  	[tilespmem:v0+s20+$0x30 ss:$0x1] =	vst.idx.msk $0xffff, v5;
	v5 =	vld [tilespmem:s21+$0xFFFFFE00]  }
0x47: {  	[tilespmem:v0+s20+$0x40 ss:$0x1] =	vst.idx.msk $0xffff, v6;
	v6 =	vld [tilespmem:s21+$0xFFFFFE10]  }
0x48: {  	[tilespmem:v0+s20+$0x50 ss:$0x1] =	vst.idx.msk $0xffff, v2;
	v2 =	vld [tilespmem:s21+$0xFFFFFE20]  }
0x49: {  	[tilespmem:v0+s20+$0x60 ss:$0x1] =	vst.idx.msk $0xffff, v3;
	v3 =	vld [tilespmem:s21+$0xFFFFFE30]  }
0x4a: {  	[tilespmem:v0+s20+$0x70 ss:$0x1] =	vst.idx.msk $0xffff, v4;
	v4 =	vld [tilespmem:s21+$0xFFFFFE40]  }
0x4b: {  	[tilespmem:v1+s20+$0xFFFFF800 ss:$0x1] =	vst.idx.msk $0xffff, v5;
	v5 =	vld [tilespmem:s21+$0xFFFFFE50]  }
0x4c: {  	[tilespmem:v0+s20+$0x410 ss:$0x1] =	vst.idx.msk $0xffff, v6;
	v6 =	vld [tilespmem:s21+$0xFFFFFE60]  }
0x4d: {  	[tilespmem:v0+s20+$0x420 ss:$0x1] =	vst.idx.msk $0xffff, v2;
	v2 =	vld [tilespmem:s21+$0xFFFFFE70]  }
0x4e: {  	[tilespmem:v0+s20+$0x430 ss:$0x1] =	vst.idx.msk $0xffff, v3;
	v3 =	vld [tilespmem:s21+$0x0]  }
0x4f: {  	[tilespmem:v0+s20+$0x440 ss:$0x1] =	vst.idx.msk $0xffff, v4;
	v4 =	vld [tilespmem:s21+$0x10]  }
0x50: {  	[tilespmem:v0+s20+$0x450 ss:$0x1] =	vst.idx.msk $0xffff, v5;
	v5 =	vld [tilespmem:s21+$0x20]  }
0x51: {  	[tilespmem:v0+s20+$0x460 ss:$0x1] =	vst.idx.msk $0xffff, v6;
	v6 =	vld [tilespmem:s21+$0x30]  }
0x52: {  	[tilespmem:v0+s20+$0x470 ss:$0x1] =	vst.idx.msk $0xffff, v2;
	v2 =	vld [tilespmem:s21+$0x40]  }
0x53: {  	[tilespmem:v1+s20+$0xFFFFFC00 ss:$0x1] =	vst.idx.msk $0xffff, v3;
	v3 =	vld [tilespmem:s21+$0x50]  }
0x54: {  	[tilespmem:v0+s20+$0x810 ss:$0x1] =	vst.idx.msk $0xffff, v4;
	v4 =	vld [tilespmem:s21+$0x60]  }
0x55: {  	[tilespmem:v0+s20+$0x820 ss:$0x1] =	vst.idx.msk $0xffff, v5;
	v5 =	vld [tilespmem:s21+$0x70]  }
0x56: {  	[tilespmem:v0+s20+$0x830 ss:$0x1] =	vst.idx.msk $0xffff, v6;
	v6 =	vld [tilespmem:s21+$0x200]  }
0x57: {  	[tilespmem:v0+s20+$0x840 ss:$0x1] =	vst.idx.msk $0xffff, v2;
	v2 =	vld [tilespmem:s21+$0x210]  }
0x58: {  	[tilespmem:v0+s20+$0x850 ss:$0x1] =	vst.idx.msk $0xffff, v3;
	v3 =	vld [tilespmem:s21+$0x220]  }
0x59: {  	[tilespmem:v0+s20+$0x860 ss:$0x1] =	vst.idx.msk $0xffff, v4;
	v7 =	vld [tilespmem:s21+$0x230]  }
.Ltmp3:
0x5a: {  	[tilespmem:v0+s20+$0x870 ss:$0x1] =	vst.idx.msk $0xffff, v5;
	v4 =	vld [tilespmem:s21+$0x240];
	(pc) =	sbr.rel @p0 .LBB1_4-.Ltmp3, $4  }
0x5b: {  	[tilespmem:v1+s20+$0x0 ss:$0x1] =	vst.idx.msk $0xffff, v6;
	v5 =	vld [tilespmem:s21+$0x250]  }
0x5c: {  	[tilespmem:v0+s20+$0xC10 ss:$0x1] =	vst.idx.msk $0xffff, v2;
	v6 =	vld [tilespmem:s21+$0x260]  }
0x5d: {  	v2 =	vld [tilespmem:s21+$0xFFFFFC00];
	[tilespmem:v0+s20+$0xC20 ss:$0x1] =	vst.idx.msk $0xffff, v3;
	s21 =	sadd.s32 $0x80, s21  }
0x5e: {  	s23 =	sadd.s32 $0x4000, s23;
	v3 =	vld [tilespmem:s21+$0x270];
	[tilespmem:v0+s20+$0xC30 ss:$0x1] =	vst.idx.msk $0xffff, v7  }
0x5f: {  	_ =	sdelay $0x3  }
0x60: {  	v7 =	vld [tilespmem:s21+$0xFFFFFC10];
	[tilespmem:v0+s20+$0xC40 ss:$0x1] =	vst.idx.msk $0xffff, v4  }
0x61: {  	v34 =	vld [tilespmem:s21+$0xFFFFFC20];
	[tilespmem:v0+s20+$0xC50 ss:$0x1] =	vst.idx.msk $0xffff, v5  }
0x62: {  	v35 =	vld [tilespmem:s21+$0xFFFFFC30];
	[tilespmem:v0+s20+$0xC60 ss:$0x1] =	vst.idx.msk $0xffff, v6  }
0x63: {  	s22 =	sshra.s32 s22, $0x2;
	v36 =	vld [tilespmem:s21+$0xFFFFFC40];
	[tilespmem:v0+s20+$0x0 ss:$0x1] =	vst.idx.msk $0xffff, v2  }
0x64: {  	v37 =	vld [tilespmem:s21+$0xFFFFFC50];
	[tilespmem:v0+s22+$0xC70 ss:$0x1] =	vst.idx.msk $0xffff, v3  }
0x65: {  	v38 =	vld [tilespmem:s21+$0xFFFFFC60];
	[tilespmem:v0+s22+$0x10 ss:$0x1] =	vst.idx.msk $0xffff, v7  }
0x66: {  	v39 =	vld [tilespmem:s21+$0xFFFFFC70];
	[tilespmem:v0+s22+$0x20 ss:$0x1] =	vst.idx.msk $0xffff, v34  }
0x67: {  	v40 =	vld [tilespmem:s21+$0xFFFFFE00];
	[tilespmem:v0+s22+$0x30 ss:$0x1] =	vst.idx.msk $0xffff, v35  }
0x68: {  	v41 =	vld [tilespmem:s21+$0xFFFFFE10];
	[tilespmem:v0+s22+$0x40 ss:$0x1] =	vst.idx.msk $0xffff, v36  }
0x69: {  	v42 =	vld [tilespmem:s21+$0xFFFFFE20];
	[tilespmem:v0+s22+$0x50 ss:$0x1] =	vst.idx.msk $0xffff, v37  }
0x6a: {  	v43 =	vld [tilespmem:s21+$0xFFFFFE30];
	[tilespmem:v0+s22+$0x60 ss:$0x1] =	vst.idx.msk $0xffff, v38  }
0x6b: {  	v44 =	vld [tilespmem:s21+$0xFFFFFE40];
	[tilespmem:v0+s22+$0x70 ss:$0x1] =	vst.idx.msk $0xffff, v39  }
0x6c: {  	v45 =	vld [tilespmem:s21+$0xFFFFFE50];
	[tilespmem:v1+s22+$0xFFFFF800 ss:$0x1] =	vst.idx.msk $0xffff, v40  }
0x6d: {  	v46 =	vld [tilespmem:s21+$0xFFFFFE60];
	[tilespmem:v0+s22+$0x410 ss:$0x1] =	vst.idx.msk $0xffff, v41  }
0x6e: {  	v47 =	vld [tilespmem:s21+$0xFFFFFE70];
	[tilespmem:v0+s22+$0x420 ss:$0x1] =	vst.idx.msk $0xffff, v42  }
0x6f: {  	v48 =	vld [tilespmem:s21+$0x0];
	[tilespmem:v0+s22+$0x430 ss:$0x1] =	vst.idx.msk $0xffff, v43  }
0x70: {  	v49 =	vld [tilespmem:s21+$0x10];
	[tilespmem:v0+s22+$0x440 ss:$0x1] =	vst.idx.msk $0xffff, v44  }
0x71: {  	v50 =	vld [tilespmem:s21+$0x20];
	[tilespmem:v0+s22+$0x450 ss:$0x1] =	vst.idx.msk $0xffff, v45  }
0x72: {  	v51 =	vld [tilespmem:s21+$0x30];
	[tilespmem:v0+s22+$0x460 ss:$0x1] =	vst.idx.msk $0xffff, v46  }
0x73: {  	v52 =	vld [tilespmem:s21+$0x40];
	[tilespmem:v0+s22+$0x470 ss:$0x1] =	vst.idx.msk $0xffff, v47  }
0x74: {  	v53 =	vld [tilespmem:s21+$0x50];
	[tilespmem:v1+s22+$0xFFFFFC00 ss:$0x1] =	vst.idx.msk $0xffff, v48  }
0x75: {  	v54 =	vld [tilespmem:s21+$0x60];
	[tilespmem:v0+s22+$0x810 ss:$0x1] =	vst.idx.msk $0xffff, v49  }
0x76: {  	v55 =	vld [tilespmem:s21+$0x70];
	[tilespmem:v0+s22+$0x820 ss:$0x1] =	vst.idx.msk $0xffff, v50  }
0x77: {  	v56 =	vld [tilespmem:s21+$0x200];
	[tilespmem:v0+s22+$0x830 ss:$0x1] =	vst.idx.msk $0xffff, v51  }
0x78: {  	v57 =	vld [tilespmem:s21+$0x210];
	[tilespmem:v0+s22+$0x840 ss:$0x1] =	vst.idx.msk $0xffff, v52  }
0x79: {  	v58 =	vld [tilespmem:s21+$0x220];
	[tilespmem:v0+s22+$0x850 ss:$0x1] =	vst.idx.msk $0xffff, v53  }
0x7a: {  	v59 =	vld [tilespmem:s21+$0x230];
	[tilespmem:v0+s22+$0x860 ss:$0x1] =	vst.idx.msk $0xffff, v54  }
0x7b: {  	v60 =	vld [tilespmem:s21+$0x240];
	[tilespmem:v0+s22+$0x870 ss:$0x1] =	vst.idx.msk $0xffff, v55  }
0x7c: {  	v61 =	vld [tilespmem:s21+$0x250];
	[tilespmem:v1+s22+$0x0 ss:$0x1] =	vst.idx.msk $0xffff, v56  }
0x7d: {  	v62 =	vld [tilespmem:s21+$0x260];
	s19 =	sadd.s32 $0x1, s19;
	[tilespmem:v0+s22+$0xC10 ss:$0x1] =	vst.idx.msk $0xffff, v57  }
0x7e: {  	v63 =	vld [tilespmem:s21+$0xFFFFFC00];
	p0 =	sne.s32 s19, $0x8;
	[tilespmem:v0+s22+$0xC20 ss:$0x1] =	vst.idx.msk $0xffff, v58  }
.Ltmp4:
0x7f: {  	[tilespmem:v0+s22+$0xC30 ss:$0x1] =	vst.idx.msk $0xffff, v59;
	(pc) =	sbr.rel @p0 .LBB1_3-.Ltmp4, $4  }
0x80: {  	[tilespmem:v0+s22+$0xC40 ss:$0x1] =	vst.idx.msk $0xffff, v60  }
0x81: {  	[tilespmem:v0+s22+$0xC50 ss:$0x1] =	vst.idx.msk $0xffff, v61  }
0x82: {  	s13 =	sadd.s32 $0x800, s13;
	[tilespmem:v0+s22+$0xC60 ss:$0x1] =	vst.idx.msk $0xffff, v62  }
0x83: {  	s18 =	sadd.s32 $0x80, s18;
	s17 =	sadd.s32 $0x1, s17;
	s14 =	sadd.s32 $0x80, s14;
	[tilespmem:v0+s22+$0x0 ss:$0x1] =	vst.idx.msk $0xffff, v63  }
.Ltmp5:
0x84: {  	(pc) =	sbr.rel .LBB1_7-.Ltmp5, $4  }
0x85: {  	_ = 	snop  }
0x86: {  	s12 =	sshll.u32 s12, $0xB  }
0x87: {  	s12 =	sadd.s32 s4, s12  }
0x88: {  	[hbm4b:s12+s8] =	stream.linear.scatter [tilespmem:s15], [sflag:$0x2], $0x4000, $0x38;
	[tilespmem:$0x10000] =	vst v63  }
.LBB1_8:
0x89: {  	_ =	sfence.sel $0x180000  }
0x8a: {  	s2 =	simm.s32 $0x1;
	[bflag:$0x0] =	sbarrier.arrive $0xFFFF  }
0x8b: {  	s31 =	simm.s32 $0x2;
	[sflag:s2] =	ssyncpa.u1 $0x1  }
0x8c: {  	[sflag:s31] =	ssyncpa.u1 $0x1  }
0x8d: {  	p0 =	sne.s32 s1, $0x0;
	_ =	strace $0x90000047  }
0x8e: {  	s0 =	sadd.s32 @!p0 $0x100000, s0;
	[bflag:$0x2] =	sbarrier.arrive $0xFFFF  }
0x8f: {  	[sflag:s0] =	ssyncadd.tile.s32 @!p0 $0x1;
	_ =	shalt  }
.Lfunc_end1:
_tile_overlayer_lowered:
.L_overlay_start_2:
0x90: {  	(tag) =	ssettag $0x2  }
0x91: {  	s0 =	rddreg [dreg:$0x0];
	s2 =	stileid.u32  }
0x92: {  	s1 =	rddreg [dreg:$0x1];
	p0 =	sne.s32 s2, $0x0  }
0x93: {  	s3 =	rddreg [dreg:$0x2];
	[bflag:$0x3] =	sbarrier.arrive $0xFFFF;
	s2 =	simm.s32 @!p0 $0x1C01  }
0x94: {  	[timem:s3], [sflag:s2] =	dma.local @!p0 [hbm:s0], s1  }
0x95: {  	s0 =	simm.s32 @!p0 $0x1  }
0x96: {  	_ =	swait.ge @!p0 [sflag:s0], s1  }
0x97: {  	s1 =	ssub.s32 @!p0 $0x0, s1;
	[sflag:s0] =	ssyncset.done @!p0 $0x0  }
0x98: {  	[sflag:s0] =	ssyncadd.s32 @!p0 s1  }
0x99: {  	[bflag:$0x3] =	sbarrier.arrive $0xFFFF  }
0x9a: {  	_ =	shalt  }

// kernel: sparse-core-data-format-call.cloned.1.call-start
scs
called_computation_lowered:
.L_overlay_start_0:
0x0: {  	s2 =	sld [smem:$0x3FD9]  }
0x1: {  	s3 =	sld [smem:$0x3FFE];
	_ =	sdelay $0x1  }
0x2: {  	s1 =	srdreg.scid  }
0x3: {  	s0 =	sand.u32 $0x1, s1  }
0x4: {  	s18 =	sshll.u32 s0, $0xA;
	s2 =	sadd.s32 s3, s2  }
0x5: {  	s2 =	sadd.s32 s2, s18  }
0x6: {  	[smem:$0x3FC4] =	sst s2  }
0x7: {  	_ = 	snop  }
0x8: {  	s2 =	sld [smem:$0x3FD0];
	(tm) =	ssettm $0x1  }
0x9: {  	s19 =	sld [smem:$0x3FFB];
	_ =	sdelay $0x3  }
0xa: {  	_ =	strace s19  }
0xb: {  	s3 =	sld [smem:$0x3FFC];
	_ =	sdelay $0x3  }
0xc: {  	_ =	strace s3  }
0xd: {  	s3 =	sld [smem:$0x3FFD];
	_ =	sdelay $0x3  }
0xe: {  	_ =	strace s3  }
0xf: {  	_ =	strace $0x8FFFFFFF  }
0x10: {  	s20 =	sld [smem:$0x3FDB];
	_ =	sdelay $0x1  }
0x11: {  	s4 =	simm.s32 $_scs_section_size  }
0x12: {  	s5 =	simm.s32 $_size__tile_overlayer_lowered;
	s6 =	simm.s32 $_tile_overlayer_lowered  }
0x13: {  	s23 =	simm.s32 $0x1BFF;
	s22 =	sshll.u32 s6, $0x1;
	s3 =	sadd.s32 s4, s20  }
0x14: {  	s7 =	simm.s32 $0x0;
	s21 =	sshll.u32 s5, $0x1;
	s5 =	sadd.s32 s22, s3  }
0x15: {  	[timem:s7], [sflag:s23] =	dma.local [hbm:s5], s21  }
0x16: {  	_ =	swait.ge [sflag:s23], s21  }
0x17: {  	s4 =	ssub.s32 $0x0, s21;
	[sflag:s23] =	ssyncset.done $0x0  }
0x18: {  	[sflag:s23] =	ssyncadd.s32 s4;
	_ =	sdelay $0x1  }
0x19: {  	s24 =	simm.s32 $0x1B8B  }
0x1a: {  	_ =	swait.ge [sflag:s24], $0x1  }
0x1b: {  	[sflag:s24] =	ssyncset.done $0x0  }
0x1c: {  	s26 =	simm.s32 $0x1B8E;
	s25 =	sld [smem:$0x3FFE];
	[sflag:s24] =	ssyncadd.s32 $0xFFFFFFFF  }
0x1d: {  	s27 =	simm.s32 $execute0_lowered;
	[smem:$0x3FD2] =	sst s26  }
0x1e: {  	s5 =	sshll.u32 s27, $0x1;
	_ =	strace $0x8000004C;
	[dreg:$0x1] =	wrdreg $0xFFFFFFFF  }
0x1f: {  	s28 =	simm.s32 $_size_execute0_lowered;
	s3 =	sadd.s32 s3, s5;
	[dreg:$0x0] =	wrdreg $0x0  }
0x20: {  	s5 =	sshll.u32 s28, $0x1;
	[dreg:$0x2] =	wrdreg s3  }
0x21: {  	[dreg:$0x3] =	wrdreg s5  }
0x22: {  	[dreg:$0x4] =	wrdreg $0xC0  }
0x23: {  	_ =	task [dreg:s7], $0x5FFFF  }
0x24: {  	[dreg:$0x1] =	wrdreg $0xFFFFFFFF  }
0x25: {  	[dreg:$0x0] =	wrdreg $0x60  }
0x26: {  	[dreg:$0x2] =	wrdreg s25  }
0x27: {  	[dreg:$0x3] =	wrdreg s2  }
0x28: {  	[dreg:$0x4] =	wrdreg $0x9  }
0x29: {  	_ =	task.clear_ibuf [dreg:s7], $0x5FFFF;
	_ =	strace $0x9000004C  }
0x2a: {  	s29 =	simm.s32 $0x9;
	_ =	strace $0x8000004E  }
0x2b: {  	_ =	swait.ge [sflag:s29], $0x1  }
0x2c: {  	[sflag:s29] =	ssyncadd.s32 $0xFFFFFFFF  }
0x2d: {  	_ =	strace $0x9000004E  }
0x2e: {  	_ =	sfence  }
0x2f: {  	s30 =	sld [smem:$0x0];
	_ =	sdelay $0x2  }
0x30: {  	s31 =	sshll.u32 s1, $0xD;
	s1 =	sshrl.u32 s1, $0x2  }
0x31: {  	s3 =	sand.u32 $0x4000, s31;
	s1 =	sadd.s32 s1, s30  }
0x32: {  	s0 =	sor.u32 s3, s0;
	s1 =	sshll.u32 s1, $0x11  }
0x33: {  	s0 =	sor.u32 s1, s0  }
0x34: {  	s0 =	sadd.s32 $0x8F2B, s0  }
0x35: {  	[sflag:s0] =	ssyncadd.remote.s32 $0x1  }
0x36: {  	_ =	sfence.sel $0xFFFF  }
0x37: {  	[dreg:$0x0] =	wrdreg $0xFFFFFFFF;
	(pc) =	sbr.abs _section_cstart, $3  }
0x38: {  	[dreg:$0x1] =	wrdreg $0xFFFFFFFF  }
0x39: {  	_ =	task.clear_ibuf [dreg:s7], $0x2FFFF;
	_ =	strace $0x9FFFFFFF  }
0x3a: {  	(tm) =	ssettm $0x7FFFFFFF  }
0x3b: {  	_ =	shalt  }
tec
execute0_lowered:
.L_overlay_start_1:
0x0: {  	(tag) =	ssettag $0x1  }
0x1: {  	s0 =	stileid.u32;
	s1 =	srdreg.scid  }
0x2: {  	s2 =	sshll.u32 s0, $0x7;
	s3 =	sshll.u32 s0, $0x5;
	s4 =	sshll.u32 s1, $0x9  }
0x3: {  	s7 =	rddreg [dreg:$0x0];
	s1 =	sand.u32 $0x180, s2;
	s29 =	sor.u32 s3, s4  }
0x4: {  	s8 =	simm.s32 $0x2;
	s2 =	sand.u32 $0x380, s29;
	s30 =	ssub.s32 $0x200, s1  }
0x5: {  	s16 =	simm.s32 $0x0;
	s31 =	sand.u32 $0x180, s30;
	s5 =	ssub.s32 $0x1000, s2  }
0x6: {  	s4 =	simm.s32 $0x1;
	p0 =	sne.s32 s31, $0x0;
	s6 =	sand.u32 $0x380, s5  }
0x7: {  	s4 =	simm.s32 @!p0 $0x0;
	p0 =	sne.s32 s6, $0x0;
	s6 =	simm.s32 $0x1  }
0x8: {  	s3 =	sshrl.u32 s30, $0x9;
	s5 =	sshrl.u32 s5, $0xA;
	s6 =	simm.s32 @!p0 $0x0  }
0x9: {  	s9 =	simm.s32 $0x1000;
	s3 =	sadd.s32 s4, s3;
	s5 =	sadd.s32 s6, s5  }
0xa: {  	s14 =	simm.s32 $0x0;
	s15 =	simm.s32 $0x0;
	s6 =	smul.u32 s5, s3  }
.Ltmp0:
0xb: {  	s12 =	simm.s32 $0x0;
	s4 =	rddreg [dreg:$0x1];
	(pc) =	sbr.rel .LBB1_1-.Ltmp0, $4  }
0xc: {  	s13 =	simm.s32 $0x0;
	s7 =	sadd.s32 $0x1000, s7;
	s3 =	rddreg [dreg:$0x2]  }
0xd: {  	_ =	strace $0x8000004D;
	s5 =	simm.s32 $0x1;
	s6 =	smul.u32 $0x4D, s6  }
0xe: {  	s11 =	smov.u32 s1;
	s10 =	smov.u32 s2;
	[sflag:s5] =	ssyncpa.u1 $0x0  }
0xf: {  	p0 =	por $0x0, $0x0;
	[sflag:s8] =	ssyncpa.u1 $0x0;
	s8 =	sadd.s32 $0x1, s6  }
.LBB1_4:
0x10: {  	v5 =	vld [tilespmem:s19+$0xFFFFFFD0]  }
0x11: {  	[tilespmem:s20+$0x2040 ss:$0x81] =	vst.msk $0xffff, v1;
	v58 =	vld [tilespmem:s19+$0xFFFFFFE0]  }
0x12: {  	[tilespmem:s20+$0x2850 ss:$0x81] =	vst.msk $0xffff, v2;
	v59 =	vld [tilespmem:s19+$0xFFFFFFF0]  }
0x13: {  	s21 =	sshra.s32 s21, $0x2;
	[tilespmem:s20+$0x3060 ss:$0x81] =	vst.msk $0xffff, v3;
	v60 =	vld [tilespmem:s19+$0x0]  }
0x14: {  	[tilespmem:s20+$0x0 ss:$0x81] =	vst.msk $0xffff, v0;
	v61 =	vld [tilespmem:s19+$0x10];
	s18 =	sadd.s32 s21, s18  }
0x15: {  	s25 =	sshll.u32 s16, $0x9;
	v62 =	vld [tilespmem:s19+$0x20];
	[tilespmem:s18+$0x3870 ss:$0x81] =	vst.msk $0xffff, v4  }
0x16: {  	s26 =	sshll.u32 s14, $0x3;
	s27 =	sshll.u32 s16, $0x7;
	v63 =	vld [tilespmem:s19+$0xFFFFFFC0];
	s30 =	sand.u32 $0x78, s14;
	[tilespmem:s18+$0x810 ss:$0x81] =	vst.msk $0xffff, v5  }
0x17: {  	s15 =	sshll.u32 s15, $0x12;
	s20 =	sand.u32 $0x1FF000, s25;
	s21 =	sand.u32 $0x1FFC00, s26;
	[tilespmem:s18+$0x1020 ss:$0x81] =	vst.msk $0xffff, v58  }
0x18: {  	s29 =	sand.u32 $0x200, s27;
	s16 =	sand.u32 $0x180, s27;
	s28 =	sadd.s32 s21, s20;
	[tilespmem:s18+$0x1830 ss:$0x81] =	vst.msk $0xffff, v59  }
0x19: {  	s31 =	sand.u32 $0x7, s14;
	s16 =	sor.u32 s30, s16;
	s19 =	sor.u32 s29, s28;
	[tilespmem:s18+$0x2040 ss:$0x81] =	vst.msk $0xffff, v60  }
0x1a: {  	s15 =	sadd.s32 s4, s15;
	s16 =	sshrl.u32 s16, $0x3;
	s19 =	sshrl.u32 s19, $0x3;
	[tilespmem:s18+$0x2850 ss:$0x81] =	vst.msk $0xffff, v61  }
0x1b: {  	s14 =	sshll.u32 s31, $0x12;
	s15 =	sadd.s32 s16, s15;
	[tilespmem:s18+$0x3060 ss:$0x81] =	vst.msk $0xffff, v62;
	s19 =	sand.u32 $0x3FFC0, s19  }
0x1c: {  	s14 =	sor.u32 $0x400, s14;
	[tilespmem:s18+$0x0 ss:$0x81] =	vst.msk $0xffff, v63;
	s15 =	sadd.s32 s19, s15  }
0x1d: {  	[hbm4b:s15+s14] =	stream.strided.scatter [tilespmem:s17], [sflag:$0x2], $0x4000, s9, s14, $0x20;
	[tilespmem:$0x10100] =	vst v63  }
.LBB1_5:
0x1e: {  	s17 =	sadd.s32 $0x400, s10  }
0x1f: {  	s14 =	sadd.s32 $0x200, s11;
	s18 =	smov.u32 s11;
	p2 =	sgt.s32 s17, $0xFFF  }
0x20: {  	s18 =	smov.u32 @p2 s14  }
0x21: {  	s14 =	simm.s32 $0x1;
	p3 =	sgt.s32 s18, $0x1FF  }
0x22: {  	s14 =	simm.s32 @!p3 $0x0  }
0x23: {  	s20 =	sadd.s32 s14, s12  }
0x24: {  	s17 =	smov.u32 @p2 s2;
	p2 =	sgt.s32 s20, $0x4C  }
0x25: {  	p1 =	slt.u32 s13, $0x2;
	s20 =	simm.s32 @p2 $0x0;
	p2 =	sne.s32 s13, s8  }
.Ltmp1:
0x26: {  	s19 =	simm.s32 @!p1 $0x2;
	(pc) =	sbr.rel @!p2 .LBB1_6-.Ltmp1, $4  }
0x27: {  	s16 =	smov.u32 s10;
	s15 =	smov.u32 s12;
	_ =	swait.ge @!p1 [sflag:s19], $0x4000  }
0x28: {  	p0 =	por !p0, !p0;
	[sflag:s19] =	ssyncset.done @!p1 $0x0;
	s10 =	smov.u32 s17  }
0x29: {  	s18 =	smov.u32 @p3 s1;
	[sflag:s19] =	ssyncadd.s32 @!p1 $0xFFFFC000;
	s14 =	smov.u32 s11  }
0x2a: {  	s11 =	smov.u32 s18;
	s13 =	sadd.s32 $0x1, s13;
	s12 =	smov.u32 s20  }
.LBB1_1:
0x2b: {  	p1 =	sge.u32 s13, s6;
	s31 =	sadd.s32 $0xFFFFFFFF, s13  }
0x2c: {  	s17 =	sxor.u32 @!p1 $0xFFFFFFFF, s13;
	s18 =	sand.u32 @!p1 $0x78, s10;
	s19 =	sshll.u32 @!p1 s11, $0xC  }
0x2d: {  	s20 =	sshll.u32 @!p1 s11, $0x7;
	s21 =	sshll.u32 @!p1 s10, $0x3;
	s17 =	sshll.u32 @!p1 s17, $0xE  }
0x2e: {  	s19 =	sand.u32 @!p1 $0x1F8000, s19;
	s20 =	sand.u32 @!p1 $0x380, s20;
	s17 =	sand.u32 @!p1 $0x4000, s17  }
0x2f: {  	s19 =	sadd.s32 @!p1 s19, s21;
	s21 =	sand.u32 @!p1 $0xC00, s21;
	s18 =	sor.u32 @!p1 s20, s18  }
0x30: {  	s20 =	sshll.u32 @!p1 s12, $0x12;
	s18 =	sor.u32 @!p1 s21, s18;
	s19 =	sshrl.u32 @!p1 s19, $0x3  }
0x31: {  	s20 =	sadd.s32 @!p1 s7, s20;
	s21 =	sand.u32 @!p1 $0x7, s10;
	s19 =	sand.u32 @!p1 $0x3FE00, s19  }
0x32: {  	s18 =	sshrl.u32 @!p1 s18, $0x3;
	s19 =	sadd.s32 @!p1 s19, s20;
	s20 =	sshll.u32 @!p1 s21, $0x12  }
0x33: {  	s18 =	sadd.s32 @!p1 s18, s19;
	s19 =	sor.u32 @!p1 $0x400, s20;
	s20 =	simm.s32 @!p1 $0x8000  }
0x34: {  	[tilespmem:s17], [sflag:$0x1] =	stream.strided.gather @!p1 [hbm4b:s18+s19], $0x4000, s20, s19, $0x38;
	[tilespmem:$0x10100] =	vst v63  }
0x35: {  	p1 =	sge.u32 s31, s6  }
.Ltmp2:
0x36: {  	_ = 	snop;
	(pc) =	sbr.rel @p1 .LBB1_5-.Ltmp2, $1  }
0x37: {  	_ =	sdelay $0x3  }
0x38: {  	s17 =	simm.s32 $0x1  }
0x39: {  	_ =	swait.ge [sflag:s5], $0x4000;
	s17 =	simm.s32 @!p0 $0x0  }
0x3a: {  	[sflag:s5] =	ssyncset.done $0x0;
	s18 =	sshll.u32 s17, $0xE  }
0x3b: {  	[sflag:s5] =	ssyncadd.s32 $0xFFFFC000;
	s19 =	sor.u32 $0x40, s18  }
0x3c: {  	s17 =	smul.u32 $0x10200, s17;
	v0 =	vld [tilespmem:s19+$0x30]  }
0x3d: {  	v3 =	vld [tilespmem:s19+$0xFFFFFFD0]  }
0x3e: {  	s17 =	sshrl.u32 s17, $0x2;
	v4 =	vld [tilespmem:s19+$0xFFFFFFE0]  }
0x3f: {  	v5 =	vld [tilespmem:s19+$0xFFFFFFF0];
	s18 =	sor.u32 $0x8000, s17  }
0x40: {  	s31 =	sand.u32 $0x1, s13;
	v1 =	vld [tilespmem:s19+$0x0];
	s20 =	sadd.s32 $0x0, s18  }
0x41: {  	v2 =	vld [tilespmem:s19+$0x10];
	s17 =	smul.u32 $0x10200, s31;
	[tilespmem:s20+$0x3870 ss:$0x81] =	vst.msk $0xffff, v0  }
0x42: {  	[tilespmem:s20+$0x810 ss:$0x81] =	vst.msk $0xffff, v3;
	v3 =	vld [tilespmem:s19+$0x20]  }
0x43: {  	s17 =	sshrl.u32 s17, $0x2;
	v0 =	vld [tilespmem:s19+$0xFFFFFFC0];
	[tilespmem:s20+$0x1020 ss:$0x81] =	vst.msk $0xffff, v4;
	s19 =	sadd.s32 $0x80, s19  }
0x44: {  	s21 =	simm.s32 $0x4;
	s22 =	simm.s32 $0x8;
	s17 =	sor.u32 $0x8000, s17;
	[tilespmem:s20+$0x1830 ss:$0x81] =	vst.msk $0xffff, v5;
	v4 =	vld [tilespmem:s19+$0x30]  }
.LBB1_3:
0x45: {  	p1 =	sne.s32 s22, $0x1FC;
	v5 =	vld [tilespmem:s19+$0xFFFFFFD0];
	[tilespmem:s20+$0x2040 ss:$0x81] =	vst.msk $0xffff, v1  }
0x46: {  	v6 =	vld [tilespmem:s19+$0xFFFFFFE0];
	[tilespmem:s20+$0x2850 ss:$0x81] =	vst.msk $0xffff, v2  }
0x47: {  	s23 =	sshra.s32 s21, $0x2;
	s21 =	smov.u32 s22;
	v7 =	vld [tilespmem:s19+$0xFFFFFFF0];
	[tilespmem:s20+$0x3060 ss:$0x81] =	vst.msk $0xffff, v3  }
.Ltmp3:
0x48: {  	v1 =	vld [tilespmem:s19+$0x0];
	[tilespmem:s20+$0x0 ss:$0x81] =	vst.msk $0xffff, v0;
	s20 =	sadd.s32 s23, s18;
	(pc) =	sbr.rel @p1 .LBB1_3-.Ltmp3, $4  }
0x49: {  	v2 =	vld [tilespmem:s19+$0x10];
	[tilespmem:s20+$0x3870 ss:$0x81] =	vst.msk $0xffff, v4  }
0x4a: {  	[tilespmem:s20+$0x810 ss:$0x81] =	vst.msk $0xffff, v5;
	v3 =	vld [tilespmem:s19+$0x20]  }
0x4b: {  	v0 =	vld [tilespmem:s19+$0xFFFFFFC0];
	[tilespmem:s20+$0x1020 ss:$0x81] =	vst.msk $0xffff, v6;
	s19 =	sadd.s32 $0x80, s19  }
0x4c: {  	s22 =	sadd.s32 $0x4, s22;
	v4 =	vld [tilespmem:s19+$0x30];
	[tilespmem:s20+$0x1830 ss:$0x81] =	vst.msk $0xffff, v7  }
.Ltmp4:
0x4d: {  	_ = 	snop;
	(pc) =	sbr.rel .LBB1_4-.Ltmp4, $1  }
0x4e: {  	_ =	sdelay $0x3  }
.LBB1_6:
0x4f: {  	_ =	sfence.sel $0x180000  }
0x50: {  	s1 =	simm.s32 $0x1;
	[bflag:$0x0] =	sbarrier.arrive $0xFFFF  }
0x51: {  	s31 =	simm.s32 $0x2;
	[sflag:s1] =	ssyncpa.u1 $0x1  }
0x52: {  	[sflag:s31] =	ssyncpa.u1 $0x1  }
0x53: {  	p0 =	sne.s32 s0, $0x0;
	_ =	strace $0x9000004D  }
0x54: {  	s0 =	sadd.s32 @!p0 $0x100000, s3;
	[bflag:$0x2] =	sbarrier.arrive $0xFFFF  }
0x55: {  	[sflag:s0] =	ssyncadd.tile.s32 @!p0 $0x1;
	_ =	shalt  }
.Lfunc_end1:
_tile_overlayer_lowered:
.L_overlay_start_2:
0x56: {  	(tag) =	ssettag $0x2  }
0x57: {  	s0 =	rddreg [dreg:$0x0];
	s2 =	stileid.u32  }
0x58: {  	s1 =	rddreg [dreg:$0x1];
	p0 =	sne.s32 s2, $0x0  }
0x59: {  	s3 =	rddreg [dreg:$0x2];
	[bflag:$0x3] =	sbarrier.arrive $0xFFFF;
	s2 =	simm.s32 @!p0 $0x1C01  }
0x5a: {  	[timem:s3], [sflag:s2] =	dma.local @!p0 [hbm:s0], s1  }
0x5b: {  	s0 =	simm.s32 @!p0 $0x1  }
0x5c: {  	_ =	swait.ge @!p0 [sflag:s0], s1  }
0x5d: {  	s1 =	ssub.s32 @!p0 $0x0, s1;
	[sflag:s0] =	ssyncset.done @!p0 $0x0  }
0x5e: {  	[sflag:s0] =	ssyncadd.s32 @!p0 s1  }
0x5f: {  	[bflag:$0x3] =	sbarrier.arrive $0xFFFF  }
0x60: {  	_ =	shalt  }

</sc_bundles>
